<compile_context>
chip_gen: v7x
topology: tpu7x:2x2x1
jax: 0.10.2.dev20260603
libtpu: 0.0.44.dev20260713+nightly
codegen_flags: <defaults>
</compile_context>

<pallas_src>
import functools

import jax
import jax.numpy as jnp
from jax import lax
from jax.experimental import pallas as pl
from jax.experimental.pallas import tpu as pltpu
from jax.experimental.pallas import tpu_sc as plsc

E = 3200000
D = 16
UNITS = 64

P = 18
W_D = 89600
E_PAD = 2 * P * W_D
TRASH = 1024
CAP = 64
NFIRE = CAP * 16
V = 25
FIRE_POS = (CAP - V) * 16
CH = E // 16
B = 2000
NBLK = CH // B
NSUB = B // (16 * V)
ZROWS = 560
NZCOPY = 10
ROWS_PER_TILE = W_D // 16


def _sc_aggregate(feat, n0, n1):
    mesh = plsc.VectorSubcoreMesh(core_axis_name="c", subcore_axis_name="s")

    @functools.partial(
        pl.kernel,
        mesh=mesh,
        compiler_params=pltpu.CompilerParams(
            use_tc_tiling_on_sc=False, needs_layout_passes=False),
        out_type=jax.ShapeDtypeStruct((E_PAD, D), jnp.float32),
        scratch_types=[
            pltpu.VMEM_SHARED((W_D + TRASH, D), jnp.float32),
            pltpu.VMEM((ZROWS, D), jnp.float32),
            pltpu.VMEM((2, B), jnp.int32),
            pltpu.VMEM((2, B), jnp.int32),
            pltpu.VMEM((NFIRE,), jnp.int32),
            pltpu.VMEM((NFIRE,), jnp.int32),
            pltpu.VMEM((NFIRE,), jnp.int32),
            pltpu.VMEM((NFIRE,), jnp.int32),
            pltpu.VMEM((NFIRE, D), jnp.float32),
            pltpu.SemaphoreType.DMA,
            pltpu.SemaphoreType.DMA,
            pltpu.SemaphoreType.DMA,
        ],
    )
    def agg_kernel(feat_hbm, n0_hbm, n1_hbm, out_hbm, acc, zbuf, nb0, nb1,
                   s_src, s_dst, g_idx, d_idx, rows, sem_a, sem_b, sem_g):
        c = lax.axis_index("c")
        s = lax.axis_index("s")

        zero16f = jnp.zeros((D,), jnp.float32)

        def zb_body(i, carry):
            zbuf[i, :] = zero16f
            return carry

        lax.fori_loop(0, ZROWS, zb_body, 0)

        iota16 = lax.iota(jnp.int32, 16)
        pad_src0 = s * NFIRE + iota16

        def start_blk(blk, par):
            base = s * CH + blk * B

            def s0():
                pltpu.async_copy(n0_hbm.at[pl.ds(base, B)], nb0.at[0], sem_a)
                pltpu.async_copy(n1_hbm.at[pl.ds(base, B)], nb1.at[0], sem_a)

            def s1():
                pltpu.async_copy(n0_hbm.at[pl.ds(base, B)], nb0.at[1], sem_b)
                pltpu.async_copy(n1_hbm.at[pl.ds(base, B)], nb1.at[1], sem_b)

            lax.cond(par == 0, s0, s1)

        def wait_blk(blk, par):
            base = s * CH + blk * B

            def w0():
                pltpu.make_async_copy(n0_hbm.at[pl.ds(base, B)], nb0.at[0],
                                      sem_a).wait()
                pltpu.make_async_copy(n1_hbm.at[pl.ds(base, B)], nb1.at[0],
                                      sem_a).wait()

            def w1():
                pltpu.make_async_copy(n0_hbm.at[pl.ds(base, B)], nb0.at[1],
                                      sem_b).wait()
                pltpu.make_async_copy(n1_hbm.at[pl.ds(base, B)], nb1.at[1],
                                      sem_b).wait()

            lax.cond(par == 0, w0, w1)

        def drain_gather():
            pltpu.make_async_copy(feat_hbm.at[g_idx], rows, sem_g).wait()
            pltpu.sync_copy(rows, acc.at[d_idx], add=True)

        def stage_copy_and_prefill():
            def cp_body(k, carry):
                k16 = k * 16
                g_idx[pl.ds(k16, 16)] = s_src[pl.ds(k16, 16)]
                d_idx[pl.ds(k16, 16)] = s_dst[pl.ds(k16, 16)]
                s_src[pl.ds(k16, 16)] = pad_src0 + k16
                s_dst[pl.ds(k16, 16)] = (W_D + k16) + iota16
                return carry

            lax.fori_loop(0, NFIRE // 16, cp_body, 0)

        def prefill_stage():
            def pf_body(k, carry):
                k16 = k * 16
                s_src[pl.ds(k16, 16)] = pad_src0 + k16
                s_dst[pl.ds(k16, 16)] = (W_D + k16) + iota16
                return carry

            lax.fori_loop(0, NFIRE // 16, pf_body, 0)

        def pass_body(p, carry):
            wbase = (c * P + p) * W_D
            lo = wbase
            hi = wbase + W_D

            for k in range(NZCOPY):
                pltpu.async_copy(
                    zbuf, acc.at[pl.ds(s * ROWS_PER_TILE + k * ZROWS,
                                       ZROWS)], sem_g)
            for k in range(NZCOPY):
                pltpu.make_async_copy(
                    zbuf, acc.at[pl.ds(s * ROWS_PER_TILE + k * ZROWS,
                                       ZROWS)], sem_g).wait()
            plsc.subcore_barrier()
            prefill_stage()

            start_blk(0, 0)

            def blk_body(blk, st):
                pos_v, pend = st
                par = jnp.bitwise_and(blk, 1)
                wait_blk(blk, par)
                lax.cond(blk + 1 < NBLK,
                         lambda: start_blk(blk + 1, 1 - par), lambda: None)

                def sub_body(u, st2):
                    pos_v, pend = st2
                    base_off = u * (V * 16)
                    nxt0 = nb0[par, pl.ds(base_off, 16)]
                    nxt1 = nb1[par, pl.ds(base_off, 16)]
                    for t in range(V):
                        v0 = nxt0
                        v1 = nxt1
                        if t + 1 < V:
                            off2 = base_off + (t + 1) * 16
                            nxt0 = nb0[par, pl.ds(off2, 16)]
                            nxt1 = nb1[par, pl.ds(off2, 16)]
                        m = (v0 >= lo) & (v0 < hi)
                        plsc.store_scatter(s_src, [pos_v], v1, mask=m)
                        plsc.store_scatter(s_dst, [pos_v], v0 - lo, mask=m)
                        pos_v = pos_v + jnp.where(m, 16, 0)
                    mx = jnp.max(pos_v)

                    def do_fire(st3):
                        pos_v, pend = st3
                        lax.cond(pend == 1, drain_gather, lambda: None)
                        stage_copy_and_prefill()
                        pltpu.async_copy(feat_hbm.at[g_idx], rows, sem_g)
                        return (iota16, jnp.int32(1))

                    return lax.cond(mx >= FIRE_POS, do_fire,
                                    lambda st3: st3, (pos_v, pend))

                return lax.fori_loop(0, NSUB, sub_body, st)

            pos_v, pend = lax.fori_loop(0, NBLK, blk_body,
                                        (iota16, jnp.int32(0)))

            lax.cond(pend == 1, drain_gather, lambda: None)
            stage_copy_and_prefill()
            pltpu.async_copy(feat_hbm.at[g_idx], rows, sem_g).wait()
            pltpu.sync_copy(rows, acc.at[d_idx], add=True)
            plsc.subcore_barrier()

            pltpu.sync_copy(
                acc.at[pl.ds(s * ROWS_PER_TILE, ROWS_PER_TILE)],
                out_hbm.at[pl.ds(wbase + s * ROWS_PER_TILE, ROWS_PER_TILE)])
            return carry

        lax.fori_loop(0, P, pass_body, 0)

    return agg_kernel(feat, n0, n1)


RB8 = 3200
NBLOCKS = (E // 8) // RB8


def _matmul_block(agg_ref, w_ref, b_ref, out_ref):
    a = agg_ref[...].reshape(RB8, 128)
    out_ref[...] = (
        jnp.dot(a, w_ref[...], preferred_element_type=jnp.float32)
        + b_ref[...]
    )


def _matmul_bias(agg1d, w128, b512):
    return pl.pallas_call(
        _matmul_block,
        grid=(NBLOCKS,),
        in_specs=[
            pl.BlockSpec((RB8 * 128,), lambda i: (i,)),
            pl.BlockSpec((128, 8 * UNITS), lambda i: (0, 0)),
            pl.BlockSpec((1, 8 * UNITS), lambda i: (0, 0)),
        ],
        out_specs=pl.BlockSpec((RB8, 8 * UNITS), lambda i: (i, 0)),
        out_shape=jax.ShapeDtypeStruct((E // 8, 8 * UNITS), jnp.float32),
    )(agg1d, w128, b512)


def kernel(edges_sph_features, edges_neighbor, kernel, bias):
    nbr = edges_neighbor.astype(jnp.int32)
    n0 = nbr[:, 0]
    n1 = nbr[:, 1]
    agg = _sc_aggregate(edges_sph_features, n0, n1)
    agg1d = jnp.reshape(agg, (E_PAD * D,))
    w128 = jnp.kron(jnp.eye(8, dtype=jnp.float32), kernel)
    b512 = jnp.tile(bias, 8).reshape(1, 8 * UNITS)
    out = _matmul_bias(agg1d, w128, b512)
    return jnp.reshape(out, (E, UNITS))

# --- scband reference (transcript-rebuilt; emitter-appended) ---
"""Pipeline reference for scband-edge-aggragate-48627619726064 (READ-ONLY COPY).

The authoritative reference and input builder live on the scoring server;
editing this copy changes nothing except your own understanding.
"""

import jax, jax.numpy as jnp
import numpy as np

E = 3200000
D_EDGE = 16
UNITS = 64

def setup_inputs(seed: int = 0) -> dict:
    key = jax.random.key(seed)
    k1, k2, k3, k4 = jax.random.split(key, 4)
    edges_sph_features = jax.random.normal(k1, (E, D_EDGE), dtype=jnp.float32)
    edges_neighbor = jax.random.randint(k2, (E, 2), 0, E, dtype=jnp.int64)
    # glorot_uniform for kernel (edge_dim, units)
    limit = np.sqrt(6.0 / (D_EDGE + UNITS))
    kernel = jax.random.uniform(k3, (D_EDGE, UNITS), dtype=jnp.float32, minval=-limit, maxval=limit)
    bias = jnp.zeros((UNITS,), dtype=jnp.float32)
    return {"edges_sph_features": edges_sph_features, "edges_neighbor": edges_neighbor, "kernel": kernel, "bias": bias}

def reference(edges_sph_features, edges_neighbor, kernel, bias):
    # gather edge features of neighbor edges (column 1)
    edges_features_neighbors = jnp.take(edges_sph_features, edges_neighbor[:, 1], axis=0)
    # aggregate by destination edge id (column 0); tf.math.segment_sum equivalent
    edges_features_aggregated = jax.ops.segment_sum(edges_features_neighbors, edges_neighbor[:, 0], num_segments=E)
    transformed_edges_features = jnp.matmul(edges_features_aggregated, kernel) + bias
    return transformed_edges_features

if __name__ == "__main__":
    import jax
    _d = setup_inputs()
    print(jax.jit(kernel)(*tuple(_d.values())))

</pallas_src>

<mosaic_0001>
#map = affine_map<(d0, d1) -> (0, 0)>
#map1 = affine_map<(d0, d1) -> (0)>
module attributes {stable_mosaic.version = 14 : i64} {
  func.func @agg_kernel(%arg0: i32, %arg1: i32, %arg2: memref<3200000x16xf32, #tpu.memory_space<hbm>>, %arg3: memref<3200000xi32, #tpu.memory_space<hbm>>, %arg4: memref<3200000xi32, #tpu.memory_space<hbm>>, %arg5: memref<3225600x16xf32, #tpu.memory_space<hbm>>, %arg6: memref<90624x16xf32, #tpu.memory_space<vmem_shared>>, %arg7: memref<560x16xf32, #tpu.memory_space<vmem>>, %arg8: memref<2x2000xi32, #tpu.memory_space<vmem>>, %arg9: memref<2x2000xi32, #tpu.memory_space<vmem>>, %arg10: memref<1024xi32, #tpu.memory_space<vmem>>, %arg11: memref<1024xi32, #tpu.memory_space<vmem>>, %arg12: memref<1024xi32, #tpu.memory_space<vmem>>, %arg13: memref<1024xi32, #tpu.memory_space<vmem>>, %arg14: memref<1024x16xf32, #tpu.memory_space<vmem>>, %arg15: memref<!tpu.dma_semaphore, #tpu.memory_space<semaphore_mem>>, %arg16: memref<!tpu.dma_semaphore, #tpu.memory_space<semaphore_mem>>, %arg17: memref<!tpu.dma_semaphore, #tpu.memory_space<semaphore_mem>>) attributes {dimension_semantics = [#tpu.dimension_semantics<core_parallel>, #tpu.dimension_semantics<subcore_parallel>], iteration_bounds = array<i64: 2, 16>, scalar_prefetch = 0 : i64, scratch_operands = 12 : i64, tpu.core_type = #tpu.core_type<sc_vector_subcore>, window_params = [{transform_indices = #map}, {transform_indices = #map1}, {transform_indices = #map1}, {transform_indices = #map}]} {
    %broadcast_in_dim3A = arith.constant 0.000000e+00 : f32
    %broadcast_in_dim3A_0 = vector.broadcast %broadcast_in_dim3A : f32 to vector<16xf32>
    %scan3A = arith.constant 0 : i32
    %scan3A_1 = arith.constant 0 : i32
    %scan3A_2 = arith.constant 560 : i32
    %scan3A_3 = arith.addi %scan3A_1, %scan3A_2 : i32
    %scan3A_4 = arith.constant 1 : i32
    scf.for %scan3A_14 = %scan3A_1 to %scan3A_3 step %scan3A_4  : i32 {
      %swap3A = arith.index_cast %scan3A_14 : i32 to index
      %swap3A_15 = arith.constant 0 : index
      %swap3A_16 = tpu.vector_load %arg7[%swap3A, %swap3A_15] {strides = array<i32>} : memref<560x16xf32, #tpu.memory_space<vmem>>, vector<16xf32>,
      tpu.vector_store %arg7[%swap3A, %swap3A_15], %broadcast_in_dim3A_0 {strides = array<i32>} : memref<560x16xf32, #tpu.memory_space<vmem>>, vector<16xf32>,
    }
    %scan3A_5 = arith.constant 560 : i32
    %iota3A = tpu.iota {dimensions = array<i32: 0>} : vector<16xi32>
    %mul3A = arith.constant 1024 : i32
    %mul3A_6 = arith.muli %arg1, %mul3A : i32
    %add3A = vector.broadcast %mul3A_6 : i32 to vector<16xi32>
    %add3A_7 = arith.addi %add3A, %iota3A : vector<16xi32>
    %scan3A_8 = arith.constant 0 : i32
    %scan3A_9 = arith.constant 0 : i32
    %scan3A_10 = arith.constant 18 : i32
    %scan3A_11 = arith.addi %scan3A_9, %scan3A_10 : i32
    %scan3A_12 = arith.constant 1 : i32
    scf.for %scan3A_14 = %scan3A_9 to %scan3A_11 step %scan3A_12  : i32 {
      %mul3A_15 = arith.constant 18 : i32
      %mul3A_16 = arith.muli %arg0, %mul3A_15 : i32
      %add3A_17 = arith.addi %mul3A_16, %scan3A_14 : i32
      %mul3A_18 = arith.constant 89600 : i32
      %mul3A_19 = arith.muli %add3A_17, %mul3A_18 : i32
      %add3A_20 = arith.constant 89600 : i32
      %add3A_21 = arith.addi %mul3A_19, %add3A_20 : i32
      %mul3A_22 = arith.constant 5600 : i32
      %mul3A_23 = arith.muli %arg1, %mul3A_22 : i32
      %add3A_24 = arith.constant 0 : i32
      %add3A_25 = arith.addi %mul3A_23, %add3A_24 : i32
      %dma_start3A = arith.constant 0 : i32
      %dma_start3A_26 = tpu.memref_slice %arg6[%add3A_25, %dma_start3A] : memref<90624x16xf32, #tpu.memory_space<vmem_shared>> -> memref<560x16xf32, #tpu.memory_space<vmem_shared>>
      %dma_start3A_27 = arith.constant 0 : i32
      %dma_start3A_28 = tpu.memref_slice %arg6[%add3A_25, %dma_start3A_27] : memref<90624x16xf32, #tpu.memory_space<vmem_shared>> -> memref<560x16xf32, #tpu.memory_space<vmem_shared>>
      tpu.enqueue_dma source(%arg7 : memref<560x16xf32, #tpu.memory_space<vmem>>) target(%dma_start3A_28 : memref<560x16xf32, #tpu.memory_space<vmem_shared>>) target_semaphore(%arg17 : memref<!tpu.dma_semaphore, #tpu.memory_space<semaphore_mem>>)
      %mul3A_29 = arith.constant 5600 : i32
      %mul3A_30 = arith.muli %arg1, %mul3A_29 : i32
      %add3A_31 = arith.constant 560 : i32
      %add3A_32 = arith.addi %mul3A_30, %add3A_31 : i32
      %dma_start3A_33 = arith.constant 0 : i32
      %dma_start3A_34 = tpu.memref_slice %arg6[%add3A_32, %dma_start3A_33] : memref<90624x16xf32, #tpu.memory_space<vmem_shared>> -> memref<560x16xf32, #tpu.memory_space<vmem_shared>>
      %dma_start3A_35 = arith.constant 0 : i32
      %dma_start3A_36 = tpu.memref_slice %arg6[%add3A_32, %dma_start3A_35] : memref<90624x16xf32, #tpu.memory_space<vmem_shared>> -> memref<560x16xf32, #tpu.memory_space<vmem_shared>>
      tpu.enqueue_dma source(%arg7 : memref<560x16xf32, #tpu.memory_space<vmem>>) target(%dma_start3A_36 : memref<560x16xf32, #tpu.memory_space<vmem_shared>>) target_semaphore(%arg17 : memref<!tpu.dma_semaphore, #tpu.memory_space<semaphore_mem>>)
      %mul3A_37 = arith.constant 5600 : i32
      %mul3A_38 = arith.muli %arg1, %mul3A_37 : i32
      %add3A_39 = arith.constant 1120 : i32
      %add3A_40 = arith.addi %mul3A_38, %add3A_39 : i32
      %dma_start3A_41 = arith.constant 0 : i32
      %dma_start3A_42 = tpu.memref_slice %arg6[%add3A_40, %dma_start3A_41] : memref<90624x16xf32, #tpu.memory_space<vmem_shared>> -> memref<560x16xf32, #tpu.memory_space<vmem_shared>>
      %dma_start3A_43 = arith.constant 0 : i32
      %dma_start3A_44 = tpu.memref_slice %arg6[%add3A_40, %dma_start3A_43] : memref<90624x16xf32, #tpu.memory_space<vmem_shared>> -> memref<560x16xf32, #tpu.memory_space<vmem_shared>>
      tpu.enqueue_dma source(%arg7 : memref<560x16xf32, #tpu.memory_space<vmem>>) target(%dma_start3A_44 : memref<560x16xf32, #tpu.memory_space<vmem_shared>>) target_semaphore(%arg17 : memref<!tpu.dma_semaphore, #tpu.memory_space<semaphore_mem>>)
      %mul3A_45 = arith.constant 5600 : i32
      %mul3A_46 = arith.muli %arg1, %mul3A_45 : i32
      %add3A_47 = arith.constant 1680 : i32
      %add3A_48 = arith.addi %mul3A_46, %add3A_47 : i32
      %dma_start3A_49 = arith.constant 0 : i32
      %dma_start3A_50 = tpu.memref_slice %arg6[%add3A_48, %dma_start3A_49] : memref<90624x16xf32, #tpu.memory_space<vmem_shared>> -> memref<560x16xf32, #tpu.memory_space<vmem_shared>>
      %dma_start3A_51 = arith.constant 0 : i32
      %dma_start3A_52 = tpu.memref_slice %arg6[%add3A_48, %dma_start3A_51] : memref<90624x16xf32, #tpu.memory_space<vmem_shared>> -> memref<560x16xf32, #tpu.memory_space<vmem_shared>>
      tpu.enqueue_dma source(%arg7 : memref<560x16xf32, #tpu.memory_space<vmem>>) target(%dma_start3A_52 : memref<560x16xf32, #tpu.memory_space<vmem_shared>>) target_semaphore(%arg17 : memref<!tpu.dma_semaphore, #tpu.memory_space<semaphore_mem>>)
      %mul3A_53 = arith.constant 5600 : i32
      %mul3A_54 = arith.muli %arg1, %mul3A_53 : i32
      %add3A_55 = arith.constant 2240 : i32
      %add3A_56 = arith.addi %mul3A_54, %add3A_55 : i32
      %dma_start3A_57 = arith.constant 0 : i32
      %dma_start3A_58 = tpu.memref_slice %arg6[%add3A_56, %dma_start3A_57] : memref<90624x16xf32, #tpu.memory_space<vmem_shared>> -> memref<560x16xf32, #tpu.memory_space<vmem_shared>>
      %dma_start3A_59 = arith.constant 0 : i32
      %dma_start3A_60 = tpu.memref_slice %arg6[%add3A_56, %dma_start3A_59] : memref<90624x16xf32, #tpu.memory_space<vmem_shared>> -> memref<560x16xf32, #tpu.memory_space<vmem_shared>>
      tpu.enqueue_dma source(%arg7 : memref<560x16xf32, #tpu.memory_space<vmem>>) target(%dma_start3A_60 : memref<560x16xf32, #tpu.memory_space<vmem_shared>>) target_semaphore(%arg17 : memref<!tpu.dma_semaphore, #tpu.memory_space<semaphore_mem>>)
      %mul3A_61 = arith.constant 5600 : i32
      %mul3A_62 = arith.muli %arg1, %mul3A_61 : i32
      %add3A_63 = arith.constant 2800 : i32
      %add3A_64 = arith.addi %mul3A_62, %add3A_63 : i32
      %dma_start3A_65 = arith.constant 0 : i32
      %dma_start3A_66 = tpu.memref_slice %arg6[%add3A_64, %dma_start3A_65] : memref<90624x16xf32, #tpu.memory_space<vmem_shared>> -> memref<560x16xf32, #tpu.memory_space<vmem_shared>>
      %dma_start3A_67 = arith.constant 0 : i32
      %dma_start3A_68 = tpu.memref_slice %arg6[%add3A_64, %dma_start3A_67] : memref<90624x16xf32, #tpu.memory_space<vmem_shared>> -> memref<560x16xf32, #tpu.memory_space<vmem_shared>>
      tpu.enqueue_dma source(%arg7 : memref<560x16xf32, #tpu.memory_space<vmem>>) target(%dma_start3A_68 : memref<560x16xf32, #tpu.memory_space<vmem_shared>>) target_semaphore(%arg17 : memref<!tpu.dma_semaphore, #tpu.memory_space<semaphore_mem>>)
      %mul3A_69 = arith.constant 5600 : i32
      %mul3A_70 = arith.muli %arg1, %mul3A_69 : i32
      %add3A_71 = arith.constant 3360 : i32
      %add3A_72 = arith.addi %mul3A_70, %add3A_71 : i32
      %dma_start3A_73 = arith.constant 0 : i32
      %dma_start3A_74 = tpu.memref_slice %arg6[%add3A_72, %dma_start3A_73] : memref<90624x16xf32, #tpu.memory_space<vmem_shared>> -> memref<560x16xf32, #tpu.memory_space<vmem_shared>>
      %dma_start3A_75 = arith.constant 0 : i32
      %dma_start3A_76 = tpu.memref_slice %arg6[%add3A_72, %dma_start3A_75] : memref<90624x16xf32, #tpu.memory_space<vmem_shared>> -> memref<560x16xf32, #tpu.memory_space<vmem_shared>>
      tpu.enqueue_dma source(%arg7 : memref<560x16xf32, #tpu.memory_space<vmem>>) target(%dma_start3A_76 : memref<560x16xf32, #tpu.memory_space<vmem_shared>>) target_semaphore(%arg17 : memref<!tpu.dma_semaphore, #tpu.memory_space<semaphore_mem>>)
      %mul3A_77 = arith.constant 5600 : i32
      %mul3A_78 = arith.muli %arg1, %mul3A_77 : i32
      %add3A_79 = arith.constant 3920 : i32
      %add3A_80 = arith.addi %mul3A_78, %add3A_79 : i32
      %dma_start3A_81 = arith.constant 0 : i32
      %dma_start3A_82 = tpu.memref_slice %arg6[%add3A_80, %dma_start3A_81] : memref<90624x16xf32, #tpu.memory_space<vmem_shared>> -> memref<560x16xf32, #tpu.memory_space<vmem_shared>>
      %dma_start3A_83 = arith.constant 0 : i32
      %dma_start3A_84 = tpu.memref_slice %arg6[%add3A_80, %dma_start3A_83] : memref<90624x16xf32, #tpu.memory_space<vmem_shared>> -> memref<560x16xf32, #tpu.memory_space<vmem_shared>>
      tpu.enqueue_dma source(%arg7 : memref<560x16xf32, #tpu.memory_space<vmem>>) target(%dma_start3A_84 : memref<560x16xf32, #tpu.memory_space<vmem_shared>>) target_semaphore(%arg17 : memref<!tpu.dma_semaphore, #tpu.memory_space<semaphore_mem>>)
      %mul3A_85 = arith.constant 5600 : i32
      %mul3A_86 = arith.muli %arg1, %mul3A_85 : i32
      %add3A_87 = arith.constant 4480 : i32
      %add3A_88 = arith.addi %mul3A_86, %add3A_87 : i32
      %dma_start3A_89 = arith.constant 0 : i32
      %dma_start3A_90 = tpu.memref_slice %arg6[%add3A_88, %dma_start3A_89] : memref<90624x16xf32, #tpu.memory_space<vmem_shared>> -> memref<560x16xf32, #tpu.memory_space<vmem_shared>>
      %dma_start3A_91 = arith.constant 0 : i32
      %dma_start3A_92 = tpu.memref_slice %arg6[%add3A_88, %dma_start3A_91] : memref<90624x16xf32, #tpu.memory_space<vmem_shared>> -> memref<560x16xf32, #tpu.memory_space<vmem_shared>>
      tpu.enqueue_dma source(%arg7 : memref<560x16xf32, #tpu.memory_space<vmem>>) target(%dma_start3A_92 : memref<560x16xf32, #tpu.memory_space<vmem_shared>>) target_semaphore(%arg17 : memref<!tpu.dma_semaphore, #tpu.memory_space<semaphore_mem>>)
      %mul3A_93 = arith.constant 5600 : i32
      %mul3A_94 = arith.muli %arg1, %mul3A_93 : i32
      %add3A_95 = arith.constant 5040 : i32
      %add3A_96 = arith.addi %mul3A_94, %add3A_95 : i32
      %dma_start3A_97 = arith.constant 0 : i32
      %dma_start3A_98 = tpu.memref_slice %arg6[%add3A_96, %dma_start3A_97] : memref<90624x16xf32, #tpu.memory_space<vmem_shared>> -> memref<560x16xf32, #tpu.memory_space<vmem_shared>>
      %dma_start3A_99 = arith.constant 0 : i32
      %dma_start3A_100 = tpu.memref_slice %arg6[%add3A_96, %dma_start3A_99] : memref<90624x16xf32, #tpu.memory_space<vmem_shared>> -> memref<560x16xf32, #tpu.memory_space<vmem_shared>>
      tpu.enqueue_dma source(%arg7 : memref<560x16xf32, #tpu.memory_space<vmem>>) target(%dma_start3A_100 : memref<560x16xf32, #tpu.memory_space<vmem_shared>>) target_semaphore(%arg17 : memref<!tpu.dma_semaphore, #tpu.memory_space<semaphore_mem>>)
      %mul3A_101 = arith.constant 5600 : i32
      %mul3A_102 = arith.muli %arg1, %mul3A_101 : i32
      %add3A_103 = arith.constant 0 : i32
      %add3A_104 = arith.addi %mul3A_102, %add3A_103 : i32
      %dma_wait3A = arith.constant 0 : i32
      %dma_wait3A_105 = tpu.memref_slice %arg6[%add3A_104, %dma_wait3A] : memref<90624x16xf32, #tpu.memory_space<vmem_shared>> -> memref<560x16xf32, #tpu.memory_space<vmem_shared>>
      %dma_wait3A_106 = arith.constant 0 : i32
      %dma_wait3A_107 = tpu.memref_slice %arg6[%add3A_104, %dma_wait3A_106] : memref<90624x16xf32, #tpu.memory_space<vmem_shared>> -> memref<560x16xf32, #tpu.memory_space<vmem_shared>>
      tpu.wait_dma2 semaphore(%arg17 : memref<!tpu.dma_semaphore, #tpu.memory_space<semaphore_mem>>) src(%arg7 : memref<560x16xf32, #tpu.memory_space<vmem>>) dst(%dma_wait3A_107 : memref<560x16xf32, #tpu.memory_space<vmem_shared>>)
      %mul3A_108 = arith.constant 5600 : i32
      %mul3A_109 = arith.muli %arg1, %mul3A_108 : i32
      %add3A_110 = arith.constant 560 : i32
      %add3A_111 = arith.addi %mul3A_109, %add3A_110 : i32
      %dma_wait3A_112 = arith.constant 0 : i32
      %dma_wait3A_113 = tpu.memref_slice %arg6[%add3A_111, %dma_wait3A_112] : memref<90624x16xf32, #tpu.memory_space<vmem_shared>> -> memref<560x16xf32, #tpu.memory_space<vmem_shared>>
      %dma_wait3A_114 = arith.constant 0 : i32
      %dma_wait3A_115 = tpu.memref_slice %arg6[%add3A_111, %dma_wait3A_114] : memref<90624x16xf32, #tpu.memory_space<vmem_shared>> -> memref<560x16xf32, #tpu.memory_space<vmem_shared>>
      tpu.wait_dma2 semaphore(%arg17 : memref<!tpu.dma_semaphore, #tpu.memory_space<semaphore_mem>>) src(%arg7 : memref<560x16xf32, #tpu.memory_space<vmem>>) dst(%dma_wait3A_115 : memref<560x16xf32, #tpu.memory_space<vmem_shared>>)
      %mul3A_116 = arith.constant 5600 : i32
      %mul3A_117 = arith.muli %arg1, %mul3A_116 : i32
      %add3A_118 = arith.constant 1120 : i32
      %add3A_119 = arith.addi %mul3A_117, %add3A_118 : i32
      %dma_wait3A_120 = arith.constant 0 : i32
      %dma_wait3A_121 = tpu.memref_slice %arg6[%add3A_119, %dma_wait3A_120] : memref<90624x16xf32, #tpu.memory_space<vmem_shared>> -> memref<560x16xf32, #tpu.memory_space<vmem_shared>>
      %dma_wait3A_122 = arith.constant 0 : i32
      %dma_wait3A_123 = tpu.memref_slice %arg6[%add3A_119, %dma_wait3A_122] : memref<90624x16xf32, #tpu.memory_space<vmem_shared>> -> memref<560x16xf32, #tpu.memory_space<vmem_shared>>
      tpu.wait_dma2 semaphore(%arg17 : memref<!tpu.dma_semaphore, #tpu.memory_space<semaphore_mem>>) src(%arg7 : memref<560x16xf32, #tpu.memory_space<vmem>>) dst(%dma_wait3A_123 : memref<560x16xf32, #tpu.memory_space<vmem_shared>>)
      %mul3A_124 = arith.constant 5600 : i32
      %mul3A_125 = arith.muli %arg1, %mul3A_124 : i32
      %add3A_126 = arith.constant 1680 : i32
      %add3A_127 = arith.addi %mul3A_125, %add3A_126 : i32
      %dma_wait3A_128 = arith.constant 0 : i32
      %dma_wait3A_129 = tpu.memref_slice %arg6[%add3A_127, %dma_wait3A_128] : memref<90624x16xf32, #tpu.memory_space<vmem_shared>> -> memref<560x16xf32, #tpu.memory_space<vmem_shared>>
      %dma_wait3A_130 = arith.constant 0 : i32
      %dma_wait3A_131 = tpu.memref_slice %arg6[%add3A_127, %dma_wait3A_130] : memref<90624x16xf32, #tpu.memory_space<vmem_shared>> -> memref<560x16xf32, #tpu.memory_space<vmem_shared>>
      tpu.wait_dma2 semaphore(%arg17 : memref<!tpu.dma_semaphore, #tpu.memory_space<semaphore_mem>>) src(%arg7 : memref<560x16xf32, #tpu.memory_space<vmem>>) dst(%dma_wait3A_131 : memref<560x16xf32, #tpu.memory_space<vmem_shared>>)
      %mul3A_132 = arith.constant 5600 : i32
      %mul3A_133 = arith.muli %arg1, %mul3A_132 : i32
      %add3A_134 = arith.constant 2240 : i32
      %add3A_135 = arith.addi %mul3A_133, %add3A_134 : i32
      %dma_wait3A_136 = arith.constant 0 : i32
      %dma_wait3A_137 = tpu.memref_slice %arg6[%add3A_135, %dma_wait3A_136] : memref<90624x16xf32, #tpu.memory_space<vmem_shared>> -> memref<560x16xf32, #tpu.memory_space<vmem_shared>>
      %dma_wait3A_138 = arith.constant 0 : i32
      %dma_wait3A_139 = tpu.memref_slice %arg6[%add3A_135, %dma_wait3A_138] : memref<90624x16xf32, #tpu.memory_space<vmem_shared>> -> memref<560x16xf32, #tpu.memory_space<vmem_shared>>
      tpu.wait_dma2 semaphore(%arg17 : memref<!tpu.dma_semaphore, #tpu.memory_space<semaphore_mem>>) src(%arg7 : memref<560x16xf32, #tpu.memory_space<vmem>>) dst(%dma_wait3A_139 : memref<560x16xf32, #tpu.memory_space<vmem_shared>>)
      %mul3A_140 = arith.constant 5600 : i32
      %mul3A_141 = arith.muli %arg1, %mul3A_140 : i32
      %add3A_142 = arith.constant 2800 : i32
      %add3A_143 = arith.addi %mul3A_141, %add3A_142 : i32
      %dma_wait3A_144 = arith.constant 0 : i32
      %dma_wait3A_145 = tpu.memref_slice %arg6[%add3A_143, %dma_wait3A_144] : memref<90624x16xf32, #tpu.memory_space<vmem_shared>> -> memref<560x16xf32, #tpu.memory_space<vmem_shared>>
      %dma_wait3A_146 = arith.constant 0 : i32
      %dma_wait3A_147 = tpu.memref_slice %arg6[%add3A_143, %dma_wait3A_146] : memref<90624x16xf32, #tpu.memory_space<vmem_shared>> -> memref<560x16xf32, #tpu.memory_space<vmem_shared>>
      tpu.wait_dma2 semaphore(%arg17 : memref<!tpu.dma_semaphore, #tpu.memory_space<semaphore_mem>>) src(%arg7 : memref<560x16xf32, #tpu.memory_space<vmem>>) dst(%dma_wait3A_147 : memref<560x16xf32, #tpu.memory_space<vmem_shared>>)
      %mul3A_148 = arith.constant 5600 : i32
      %mul3A_149 = arith.muli %arg1, %mul3A_148 : i32
      %add3A_150 = arith.constant 3360 : i32
      %add3A_151 = arith.addi %mul3A_149, %add3A_150 : i32
      %dma_wait3A_152 = arith.constant 0 : i32
      %dma_wait3A_153 = tpu.memref_slice %arg6[%add3A_151, %dma_wait3A_152] : memref<90624x16xf32, #tpu.memory_space<vmem_shared>> -> memref<560x16xf32, #tpu.memory_space<vmem_shared>>
      %dma_wait3A_154 = arith.constant 0 : i32
      %dma_wait3A_155 = tpu.memref_slice %arg6[%add3A_151, %dma_wait3A_154] : memref<90624x16xf32, #tpu.memory_space<vmem_shared>> -> memref<560x16xf32, #tpu.memory_space<vmem_shared>>
      tpu.wait_dma2 semaphore(%arg17 : memref<!tpu.dma_semaphore, #tpu.memory_space<semaphore_mem>>) src(%arg7 : memref<560x16xf32, #tpu.memory_space<vmem>>) dst(%dma_wait3A_155 : memref<560x16xf32, #tpu.memory_space<vmem_shared>>)
      %mul3A_156 = arith.constant 5600 : i32
      %mul3A_157 = arith.muli %arg1, %mul3A_156 : i32
      %add3A_158 = arith.constant 3920 : i32
      %add3A_159 = arith.addi %mul3A_157, %add3A_158 : i32
      %dma_wait3A_160 = arith.constant 0 : i32
      %dma_wait3A_161 = tpu.memref_slice %arg6[%add3A_159, %dma_wait3A_160] : memref<90624x16xf32, #tpu.memory_space<vmem_shared>> -> memref<560x16xf32, #tpu.memory_space<vmem_shared>>
      %dma_wait3A_162 = arith.constant 0 : i32
      %dma_wait3A_163 = tpu.memref_slice %arg6[%add3A_159, %dma_wait3A_162] : memref<90624x16xf32, #tpu.memory_space<vmem_shared>> -> memref<560x16xf32, #tpu.memory_space<vmem_shared>>
      tpu.wait_dma2 semaphore(%arg17 : memref<!tpu.dma_semaphore, #tpu.memory_space<semaphore_mem>>) src(%arg7 : memref<560x16xf32, #tpu.memory_space<vmem>>) dst(%dma_wait3A_163 : memref<560x16xf32, #tpu.memory_space<vmem_shared>>)
      %mul3A_164 = arith.constant 5600 : i32
      %mul3A_165 = arith.muli %arg1, %mul3A_164 : i32
      %add3A_166 = arith.constant 4480 : i32
      %add3A_167 = arith.addi %mul3A_165, %add3A_166 : i32
      %dma_wait3A_168 = arith.constant 0 : i32
      %dma_wait3A_169 = tpu.memref_slice %arg6[%add3A_167, %dma_wait3A_168] : memref<90624x16xf32, #tpu.memory_space<vmem_shared>> -> memref<560x16xf32, #tpu.memory_space<vmem_shared>>
      %dma_wait3A_170 = arith.constant 0 : i32
      %dma_wait3A_171 = tpu.memref_slice %arg6[%add3A_167, %dma_wait3A_170] : memref<90624x16xf32, #tpu.memory_space<vmem_shared>> -> memref<560x16xf32, #tpu.memory_space<vmem_shared>>
      tpu.wait_dma2 semaphore(%arg17 : memref<!tpu.dma_semaphore, #tpu.memory_space<semaphore_mem>>) src(%arg7 : memref<560x16xf32, #tpu.memory_space<vmem>>) dst(%dma_wait3A_171 : memref<560x16xf32, #tpu.memory_space<vmem_shared>>)
      %mul3A_172 = arith.constant 5600 : i32
      %mul3A_173 = arith.muli %arg1, %mul3A_172 : i32
      %add3A_174 = arith.constant 5040 : i32
      %add3A_175 = arith.addi %mul3A_173, %add3A_174 : i32
      %dma_wait3A_176 = arith.constant 0 : i32
      %dma_wait3A_177 = tpu.memref_slice %arg6[%add3A_175, %dma_wait3A_176] : memref<90624x16xf32, #tpu.memory_space<vmem_shared>> -> memref<560x16xf32, #tpu.memory_space<vmem_shared>>
      %dma_wait3A_178 = arith.constant 0 : i32
      %dma_wait3A_179 = tpu.memref_slice %arg6[%add3A_175, %dma_wait3A_178] : memref<90624x16xf32, #tpu.memory_space<vmem_shared>> -> memref<560x16xf32, #tpu.memory_space<vmem_shared>>
      tpu.wait_dma2 semaphore(%arg17 : memref<!tpu.dma_semaphore, #tpu.memory_space<semaphore_mem>>) src(%arg7 : memref<560x16xf32, #tpu.memory_space<vmem>>) dst(%dma_wait3A_179 : memref<560x16xf32, #tpu.memory_space<vmem_shared>>)
      %barrier3A = arith.constant 0 : index
      tpu.barrier barrier_id(%barrier3A)
      %scan3A_180 = arith.constant 0 : i32
      %scan3A_181 = arith.constant 0 : i32
      %scan3A_182 = arith.constant 64 : i32
      %scan3A_183 = arith.addi %scan3A_181, %scan3A_182 : i32
      %scan3A_184 = arith.constant 1 : i32
      scf.for %scan3A_236 = %scan3A_181 to %scan3A_183 step %scan3A_184  : i32 {
        %mul3A_237 = arith.constant 16 : i32
        %mul3A_238 = arith.muli %scan3A_236, %mul3A_237 : i32
        %add3A_239 = vector.broadcast %mul3A_238 : i32 to vector<16xi32>
        %add3A_240 = arith.addi %add3A_7, %add3A_239 : vector<16xi32>
        %swap3A = arith.index_cast %mul3A_238 : i32 to index
        %swap3A_241 = tpu.vector_load %arg10[%swap3A] {strides = array<i32>} : memref<1024xi32, #tpu.memory_space<vmem>>, vector<16xi32>,
        tpu.vector_store %arg10[%swap3A], %add3A_240 {strides = array<i32>} : memref<1024xi32, #tpu.memory_space<vmem>>, vector<16xi32>,
        %add3A_242 = arith.constant 89600 : i32
        %add3A_243 = arith.addi %add3A_242, %mul3A_238 : i32
        %add3A_244 = vector.broadcast %add3A_243 : i32 to vector<16xi32>
        %add3A_245 = arith.addi %add3A_244, %iota3A : vector<16xi32>
        %swap3A_246 = arith.index_cast %mul3A_238 : i32 to index
        %swap3A_247 = tpu.vector_load %arg11[%swap3A_246] {strides = array<i32>} : memref<1024xi32, #tpu.memory_space<vmem>>, vector<16xi32>,
        tpu.vector_store %arg11[%swap3A_246], %add3A_245 {strides = array<i32>} : memref<1024xi32, #tpu.memory_space<vmem>>, vector<16xi32>,
      }
      %scan3A_185 = arith.constant 64 : i32
      %mul3A_186 = arith.constant 200000 : i32
      %mul3A_187 = arith.muli %arg1, %mul3A_186 : i32
      %add3A_188 = arith.constant 0 : i32
      %add3A_189 = arith.addi %mul3A_187, %add3A_188 : i32
      %cond3A = arith.constant 1 : i32
      %dma_start3A_190 = arith.constant 0 : i32
      %dma_start3A_191 = arith.constant 0 : i32
      %dma_start3A_192 = tpu.memref_slice %arg8[%dma_start3A_190, %dma_start3A_191] : memref<2x2000xi32, #tpu.memory_space<vmem>> -> memref<1x2000xi32, #tpu.memory_space<vmem>>
      %dma_start3A_193 = tpu.memref_squeeze %dma_start3A_192 : memref<1x2000xi32, #tpu.memory_space<vmem>> -> memref<2000xi32, #tpu.memory_space<vmem>>
      %dma_start3A_194 = tpu.memref_slice %arg3[%add3A_189] : memref<3200000xi32, #tpu.memory_space<hbm>> -> memref<2000xi32, #tpu.memory_space<hbm>>
      %dma_start3A_195 = arith.constant 0 : i32
      %dma_start3A_196 = tpu.memref_slice %arg8[%dma_start3A_190, %dma_start3A_195] : memref<2x2000xi32, #tpu.memory_space<vmem>> -> memref<1x2000xi32, #tpu.memory_space<vmem>>
      %dma_start3A_197 = tpu.memref_squeeze %dma_start3A_196 : memref<1x2000xi32, #tpu.memory_space<vmem>> -> memref<2000xi32, #tpu.memory_space<vmem>>
      %dma_start3A_198 = tpu.memref_slice %arg3[%add3A_189] : memref<3200000xi32, #tpu.memory_space<hbm>> -> memref<2000xi32, #tpu.memory_space<hbm>>
      tpu.enqueue_dma source(%dma_start3A_198 : memref<2000xi32, #tpu.memory_space<hbm>>) target(%dma_start3A_197 : memref<2000xi32, #tpu.memory_space<vmem>>) target_semaphore(%arg15 : memref<!tpu.dma_semaphore, #tpu.memory_space<semaphore_mem>>)
      %dma_start3A_199 = arith.constant 0 : i32
      %dma_start3A_200 = arith.constant 0 : i32
      %dma_start3A_201 = tpu.memref_slice %arg9[%dma_start3A_199, %dma_start3A_200] : memref<2x2000xi32, #tpu.memory_space<vmem>> -> memref<1x2000xi32, #tpu.memory_space<vmem>>
      %dma_start3A_202 = tpu.memref_squeeze %dma_start3A_201 : memref<1x2000xi32, #tpu.memory_space<vmem>> -> memref<2000xi32, #tpu.memory_space<vmem>>
      %dma_start3A_203 = tpu.memref_slice %arg4[%add3A_189] : memref<3200000xi32, #tpu.memory_space<hbm>> -> memref<2000xi32, #tpu.memory_space<hbm>>
      %dma_start3A_204 = arith.constant 0 : i32
      %dma_start3A_205 = tpu.memref_slice %arg9[%dma_start3A_199, %dma_start3A_204] : memref<2x2000xi32, #tpu.memory_space<vmem>> -> memref<1x2000xi32, #tpu.memory_space<vmem>>
      %dma_start3A_206 = tpu.memref_squeeze %dma_start3A_205 : memref<1x2000xi32, #tpu.memory_space<vmem>> -> memref<2000xi32, #tpu.memory_space<vmem>>
      %dma_start3A_207 = tpu.memref_slice %arg4[%add3A_189] : memref<3200000xi32, #tpu.memory_space<hbm>> -> memref<2000xi32, #tpu.memory_space<hbm>>
      tpu.enqueue_dma source(%dma_start3A_207 : memref<2000xi32, #tpu.memory_space<hbm>>) target(%dma_start3A_206 : memref<2000xi32, #tpu.memory_space<vmem>>) target_semaphore(%arg15 : memref<!tpu.dma_semaphore, #tpu.memory_space<semaphore_mem>>)
      %scan3A_208 = arith.constant 0 : i32
      %scan3A_209 = arith.constant 0 : i32
      %scan3A_210 = arith.constant 100 : i32
      %scan3A_211 = arith.addi %scan3A_209, %scan3A_210 : i32
      %scan3A_212 = arith.constant 1 : i32
      %scan3A_213:2 = scf.for %scan3A_236 = %scan3A_209 to %scan3A_211 step %scan3A_212 iter_args(%scan3A_237 = %iota3A, %scan3A_238 = %scan3A_208) -> (vector<16xi32>, i32)  : i32 {
        %and3A = arith.constant 1 : i32
        %and3A_239 = arith.andi %scan3A_236, %and3A : i32
        %mul3A_240 = arith.constant 200000 : i32
        %mul3A_241 = arith.muli %arg1, %mul3A_240 : i32
        %mul3A_242 = arith.constant 2000 : i32
        %mul3A_243 = arith.muli %scan3A_236, %mul3A_242 : i32
        %add3A_244 = arith.addi %mul3A_241, %mul3A_243 : i32
        %eq3A_245 = arith.constant 0 : i32
        %eq3A_246 = arith.cmpi eq, %and3A_239, %eq3A_245 : i32
        %convert_element_type3A_247 = arith.extui %eq3A_246 : i1 to i32
        %cond3A_248 = arith.constant 0 : i32
        %cond3A_249 = arith.cmpi ne, %convert_element_type3A_247, %cond3A_248 : i32
        scf.if %cond3A_249 {
          %dma_wait3A_262 = arith.constant 0 : i32
          %dma_wait3A_263 = arith.constant 0 : i32
          %dma_wait3A_264 = tpu.memref_slice %arg8[%dma_wait3A_262, %dma_wait3A_263] : memref<2x2000xi32, #tpu.memory_space<vmem>> -> memref<1x2000xi32, #tpu.memory_space<vmem>>
          %dma_wait3A_265 = tpu.memref_squeeze %dma_wait3A_264 : memref<1x2000xi32, #tpu.memory_space<vmem>> -> memref<2000xi32, #tpu.memory_space<vmem>>
          %dma_wait3A_266 = tpu.memref_slice %arg3[%add3A_244] : memref<3200000xi32, #tpu.memory_space<hbm>> -> memref<2000xi32, #tpu.memory_space<hbm>>
          %dma_wait3A_267 = arith.constant 0 : i32
          %dma_wait3A_268 = tpu.memref_slice %arg8[%dma_wait3A_262, %dma_wait3A_267] : memref<2x2000xi32, #tpu.memory_space<vmem>> -> memref<1x2000xi32, #tpu.memory_space<vmem>>
          %dma_wait3A_269 = tpu.memref_squeeze %dma_wait3A_268 : memref<1x2000xi32, #tpu.memory_space<vmem>> -> memref<2000xi32, #tpu.memory_space<vmem>>
          %dma_wait3A_270 = tpu.memref_slice %arg3[%add3A_244] : memref<3200000xi32, #tpu.memory_space<hbm>> -> memref<2000xi32, #tpu.memory_space<hbm>>
          tpu.wait_dma2 semaphore(%arg15 : memref<!tpu.dma_semaphore, #tpu.memory_space<semaphore_mem>>) src(%dma_wait3A_270 : memref<2000xi32, #tpu.memory_space<hbm>>) dst(%dma_wait3A_269 : memref<2000xi32, #tpu.memory_space<vmem>>)
          %dma_wait3A_271 = arith.constant 0 : i32
          %dma_wait3A_272 = arith.constant 0 : i32
          %dma_wait3A_273 = tpu.memref_slice %arg9[%dma_wait3A_271, %dma_wait3A_272] : memref<2x2000xi32, #tpu.memory_space<vmem>> -> memref<1x2000xi32, #tpu.memory_space<vmem>>
          %dma_wait3A_274 = tpu.memref_squeeze %dma_wait3A_273 : memref<1x2000xi32, #tpu.memory_space<vmem>> -> memref<2000xi32, #tpu.memory_space<vmem>>
          %dma_wait3A_275 = tpu.memref_slice %arg4[%add3A_244] : memref<3200000xi32, #tpu.memory_space<hbm>> -> memref<2000xi32, #tpu.memory_space<hbm>>
          %dma_wait3A_276 = arith.constant 0 : i32
          %dma_wait3A_277 = tpu.memref_slice %arg9[%dma_wait3A_271, %dma_wait3A_276] : memref<2x2000xi32, #tpu.memory_space<vmem>> -> memref<1x2000xi32, #tpu.memory_space<vmem>>
          %dma_wait3A_278 = tpu.memref_squeeze %dma_wait3A_277 : memref<1x2000xi32, #tpu.memory_space<vmem>> -> memref<2000xi32, #tpu.memory_space<vmem>>
          %dma_wait3A_279 = tpu.memref_slice %arg4[%add3A_244] : memref<3200000xi32, #tpu.memory_space<hbm>> -> memref<2000xi32, #tpu.memory_space<hbm>>
          tpu.wait_dma2 semaphore(%arg15 : memref<!tpu.dma_semaphore, #tpu.memory_space<semaphore_mem>>) src(%dma_wait3A_279 : memref<2000xi32, #tpu.memory_space<hbm>>) dst(%dma_wait3A_278 : memref<2000xi32, #tpu.memory_space<vmem>>)
        } else {
          %dma_wait3A_262 = arith.constant 1 : i32
          %dma_wait3A_263 = arith.constant 0 : i32
          %dma_wait3A_264 = tpu.memref_slice %arg8[%dma_wait3A_262, %dma_wait3A_263] : memref<2x2000xi32, #tpu.memory_space<vmem>> -> memref<1x2000xi32, #tpu.memory_space<vmem>>
          %dma_wait3A_265 = tpu.memref_squeeze %dma_wait3A_264 : memref<1x2000xi32, #tpu.memory_space<vmem>> -> memref<2000xi32, #tpu.memory_space<vmem>>
          %dma_wait3A_266 = tpu.memref_slice %arg3[%add3A_244] : memref<3200000xi32, #tpu.memory_space<hbm>> -> memref<2000xi32, #tpu.memory_space<hbm>>
          %dma_wait3A_267 = arith.constant 0 : i32
          %dma_wait3A_268 = tpu.memref_slice %arg8[%dma_wait3A_262, %dma_wait3A_267] : memref<2x2000xi32, #tpu.memory_space<vmem>> -> memref<1x2000xi32, #tpu.memory_space<vmem>>
          %dma_wait3A_269 = tpu.memref_squeeze %dma_wait3A_268 : memref<1x2000xi32, #tpu.memory_space<vmem>> -> memref<2000xi32, #tpu.memory_space<vmem>>
          %dma_wait3A_270 = tpu.memref_slice %arg3[%add3A_244] : memref<3200000xi32, #tpu.memory_space<hbm>> -> memref<2000xi32, #tpu.memory_space<hbm>>
          tpu.wait_dma2 semaphore(%arg16 : memref<!tpu.dma_semaphore, #tpu.memory_space<semaphore_mem>>) src(%dma_wait3A_270 : memref<2000xi32, #tpu.memory_space<hbm>>) dst(%dma_wait3A_269 : memref<2000xi32, #tpu.memory_space<vmem>>)
          %dma_wait3A_271 = arith.constant 1 : i32
          %dma_wait3A_272 = arith.constant 0 : i32
          %dma_wait3A_273 = tpu.memref_slice %arg9[%dma_wait3A_271, %dma_wait3A_272] : memref<2x2000xi32, #tpu.memory_space<vmem>> -> memref<1x2000xi32, #tpu.memory_space<vmem>>
          %dma_wait3A_274 = tpu.memref_squeeze %dma_wait3A_273 : memref<1x2000xi32, #tpu.memory_space<vmem>> -> memref<2000xi32, #tpu.memory_space<vmem>>
          %dma_wait3A_275 = tpu.memref_slice %arg4[%add3A_244] : memref<3200000xi32, #tpu.memory_space<hbm>> -> memref<2000xi32, #tpu.memory_space<hbm>>
          %dma_wait3A_276 = arith.constant 0 : i32
          %dma_wait3A_277 = tpu.memref_slice %arg9[%dma_wait3A_271, %dma_wait3A_276] : memref<2x2000xi32, #tpu.memory_space<vmem>> -> memref<1x2000xi32, #tpu.memory_space<vmem>>
          %dma_wait3A_278 = tpu.memref_squeeze %dma_wait3A_277 : memref<1x2000xi32, #tpu.memory_space<vmem>> -> memref<2000xi32, #tpu.memory_space<vmem>>
          %dma_wait3A_279 = tpu.memref_slice %arg4[%add3A_244] : memref<3200000xi32, #tpu.memory_space<hbm>> -> memref<2000xi32, #tpu.memory_space<hbm>>
          tpu.wait_dma2 semaphore(%arg16 : memref<!tpu.dma_semaphore, #tpu.memory_space<semaphore_mem>>) src(%dma_wait3A_279 : memref<2000xi32, #tpu.memory_space<hbm>>) dst(%dma_wait3A_278 : memref<2000xi32, #tpu.memory_space<vmem>>)
        }
        %add3A_250 = arith.constant 1 : i32
        %add3A_251 = arith.addi %scan3A_236, %add3A_250 : i32
        %lt3A = arith.constant 100 : i32
        %lt3A_252 = arith.cmpi slt, %add3A_251, %lt3A : i32
        %convert_element_type3A_253 = arith.extui %lt3A_252 : i1 to i32
        %cond3A_254 = arith.constant 0 : i32
        %cond3A_255 = arith.cmpi ne, %convert_element_type3A_253, %cond3A_254 : i32
        scf.if %cond3A_255 {
          %add3A_262 = arith.constant 1 : i32
          %add3A_263 = arith.addi %scan3A_236, %add3A_262 : i32
          %sub3A = arith.constant 1 : i32
          %sub3A_264 = arith.subi %sub3A, %and3A_239 : i32
          %mul3A_265 = arith.constant 200000 : i32
          %mul3A_266 = arith.muli %arg1, %mul3A_265 : i32
          %mul3A_267 = arith.constant 2000 : i32
          %mul3A_268 = arith.muli %add3A_263, %mul3A_267 : i32
          %add3A_269 = arith.addi %mul3A_266, %mul3A_268 : i32
          %eq3A_270 = arith.constant 0 : i32
          %eq3A_271 = arith.cmpi eq, %sub3A_264, %eq3A_270 : i32
          %convert_element_type3A_272 = arith.extui %eq3A_271 : i1 to i32
          %cond3A_273 = arith.constant 0 : i32
          %cond3A_274 = arith.cmpi ne, %convert_element_type3A_272, %cond3A_273 : i32
          scf.if %cond3A_274 {
            %dma_start3A_275 = arith.constant 0 : i32
            %dma_start3A_276 = arith.constant 0 : i32
            %dma_start3A_277 = tpu.memref_slice %arg8[%dma_start3A_275, %dma_start3A_276] : memref<2x2000xi32, #tpu.memory_space<vmem>> -> memref<1x2000xi32, #tpu.memory_space<vmem>>
            %dma_start3A_278 = tpu.memref_squeeze %dma_start3A_277 : memref<1x2000xi32, #tpu.memory_space<vmem>> -> memref<2000xi32, #tpu.memory_space<vmem>>
            %dma_start3A_279 = tpu.memref_slice %arg3[%add3A_269] : memref<3200000xi32, #tpu.memory_space<hbm>> -> memref<2000xi32, #tpu.memory_space<hbm>>
            %dma_start3A_280 = arith.constant 0 : i32
            %dma_start3A_281 = tpu.memref_slice %arg8[%dma_start3A_275, %dma_start3A_280] : memref<2x2000xi32, #tpu.memory_space<vmem>> -> memref<1x2000xi32, #tpu.memory_space<vmem>>
            %dma_start3A_282 = tpu.memref_squeeze %dma_start3A_281 : memref<1x2000xi32, #tpu.memory_space<vmem>> -> memref<2000xi32, #tpu.memory_space<vmem>>
            %dma_start3A_283 = tpu.memref_slice %arg3[%add3A_269] : memref<3200000xi32, #tpu.memory_space<hbm>> -> memref<2000xi32, #tpu.memory_space<hbm>>
            tpu.enqueue_dma source(%dma_start3A_283 : memref<2000xi32, #tpu.memory_space<hbm>>) target(%dma_start3A_282 : memref<2000xi32, #tpu.memory_space<vmem>>) target_semaphore(%arg15 : memref<!tpu.dma_semaphore, #tpu.memory_space<semaphore_mem>>)
            %dma_start3A_284 = arith.constant 0 : i32
            %dma_start3A_285 = arith.constant 0 : i32
            %dma_start3A_286 = tpu.memref_slice %arg9[%dma_start3A_284, %dma_start3A_285] : memref<2x2000xi32, #tpu.memory_space<vmem>> -> memref<1x2000xi32, #tpu.memory_space<vmem>>
            %dma_start3A_287 = tpu.memref_squeeze %dma_start3A_286 : memref<1x2000xi32, #tpu.memory_space<vmem>> -> memref<2000xi32, #tpu.memory_space<vmem>>
            %dma_start3A_288 = tpu.memref_slice %arg4[%add3A_269] : memref<3200000xi32, #tpu.memory_space<hbm>> -> memref<2000xi32, #tpu.memory_space<hbm>>
            %dma_start3A_289 = arith.constant 0 : i32
            %dma_start3A_290 = tpu.memref_slice %arg9[%dma_start3A_284, %dma_start3A_289] : memref<2x2000xi32, #tpu.memory_space<vmem>> -> memref<1x2000xi32, #tpu.memory_space<vmem>>
            %dma_start3A_291 = tpu.memref_squeeze %dma_start3A_290 : memref<1x2000xi32, #tpu.memory_space<vmem>> -> memref<2000xi32, #tpu.memory_space<vmem>>
            %dma_start3A_292 = tpu.memref_slice %arg4[%add3A_269] : memref<3200000xi32, #tpu.memory_space<hbm>> -> memref<2000xi32, #tpu.memory_space<hbm>>
            tpu.enqueue_dma source(%dma_start3A_292 : memref<2000xi32, #tpu.memory_space<hbm>>) target(%dma_start3A_291 : memref<2000xi32, #tpu.memory_space<vmem>>) target_semaphore(%arg15 : memref<!tpu.dma_semaphore, #tpu.memory_space<semaphore_mem>>)
          } else {
            %dma_start3A_275 = arith.constant 1 : i32
            %dma_start3A_276 = arith.constant 0 : i32
            %dma_start3A_277 = tpu.memref_slice %arg8[%dma_start3A_275, %dma_start3A_276] : memref<2x2000xi32, #tpu.memory_space<vmem>> -> memref<1x2000xi32, #tpu.memory_space<vmem>>
            %dma_start3A_278 = tpu.memref_squeeze %dma_start3A_277 : memref<1x2000xi32, #tpu.memory_space<vmem>> -> memref<2000xi32, #tpu.memory_space<vmem>>
            %dma_start3A_279 = tpu.memref_slice %arg3[%add3A_269] : memref<3200000xi32, #tpu.memory_space<hbm>> -> memref<2000xi32, #tpu.memory_space<hbm>>
            %dma_start3A_280 = arith.constant 0 : i32
            %dma_start3A_281 = tpu.memref_slice %arg8[%dma_start3A_275, %dma_start3A_280] : memref<2x2000xi32, #tpu.memory_space<vmem>> -> memref<1x2000xi32, #tpu.memory_space<vmem>>
            %dma_start3A_282 = tpu.memref_squeeze %dma_start3A_281 : memref<1x2000xi32, #tpu.memory_space<vmem>> -> memref<2000xi32, #tpu.memory_space<vmem>>
            %dma_start3A_283 = tpu.memref_slice %arg3[%add3A_269] : memref<3200000xi32, #tpu.memory_space<hbm>> -> memref<2000xi32, #tpu.memory_space<hbm>>
            tpu.enqueue_dma source(%dma_start3A_283 : memref<2000xi32, #tpu.memory_space<hbm>>) target(%dma_start3A_282 : memref<2000xi32, #tpu.memory_space<vmem>>) target_semaphore(%arg16 : memref<!tpu.dma_semaphore, #tpu.memory_space<semaphore_mem>>)
            %dma_start3A_284 = arith.constant 1 : i32
            %dma_start3A_285 = arith.constant 0 : i32
            %dma_start3A_286 = tpu.memref_slice %arg9[%dma_start3A_284, %dma_start3A_285] : memref<2x2000xi32, #tpu.memory_space<vmem>> -> memref<1x2000xi32, #tpu.memory_space<vmem>>
            %dma_start3A_287 = tpu.memref_squeeze %dma_start3A_286 : memref<1x2000xi32, #tpu.memory_space<vmem>> -> memref<2000xi32, #tpu.memory_space<vmem>>
            %dma_start3A_288 = tpu.memref_slice %arg4[%add3A_269] : memref<3200000xi32, #tpu.memory_space<hbm>> -> memref<2000xi32, #tpu.memory_space<hbm>>
            %dma_start3A_289 = arith.constant 0 : i32
            %dma_start3A_290 = tpu.memref_slice %arg9[%dma_start3A_284, %dma_start3A_289] : memref<2x2000xi32, #tpu.memory_space<vmem>> -> memref<1x2000xi32, #tpu.memory_space<vmem>>
            %dma_start3A_291 = tpu.memref_squeeze %dma_start3A_290 : memref<1x2000xi32, #tpu.memory_space<vmem>> -> memref<2000xi32, #tpu.memory_space<vmem>>
            %dma_start3A_292 = tpu.memref_slice %arg4[%add3A_269] : memref<3200000xi32, #tpu.memory_space<hbm>> -> memref<2000xi32, #tpu.memory_space<hbm>>
            tpu.enqueue_dma source(%dma_start3A_292 : memref<2000xi32, #tpu.memory_space<hbm>>) target(%dma_start3A_291 : memref<2000xi32, #tpu.memory_space<vmem>>) target_semaphore(%arg16 : memref<!tpu.dma_semaphore, #tpu.memory_space<semaphore_mem>>)
          }
        } else {
        }
        %scan3A_256 = arith.constant 0 : i32
        %scan3A_257 = arith.constant 5 : i32
        %scan3A_258 = arith.addi %scan3A_256, %scan3A_257 : i32
        %scan3A_259 = arith.constant 1 : i32
        %scan3A_260:2 = scf.for %scan3A_262 = %scan3A_256 to %scan3A_258 step %scan3A_259 iter_args(%scan3A_263 = %scan3A_237, %scan3A_264 = %scan3A_238) -> (vector<16xi32>, i32)  : i32 {
          %mul3A_265 = arith.constant 400 : i32
          %mul3A_266 = arith.muli %scan3A_262, %mul3A_265 : i32
          %get3A = arith.index_cast %and3A_239 : i32 to index
          %get3A_267 = arith.index_cast %mul3A_266 : i32 to index
          %get3A_268 = tpu.vector_load %arg8[%get3A, %get3A_267] {strides = array<i32>} : memref<2x2000xi32, #tpu.memory_space<vmem>>, vector<16xi32>,
          %get3A_269 = arith.index_cast %and3A_239 : i32 to index
          %get3A_270 = arith.index_cast %mul3A_266 : i32 to index
          %get3A_271 = tpu.vector_load %arg9[%get3A_269, %get3A_270] {strides = array<i32>} : memref<2x2000xi32, #tpu.memory_space<vmem>>, vector<16xi32>,
          %add3A_272 = arith.constant 16 : i32
          %add3A_273 = arith.addi %mul3A_266, %add3A_272 : i32
          %get3A_274 = arith.index_cast %and3A_239 : i32 to index
          %get3A_275 = arith.index_cast %add3A_273 : i32 to index
          %get3A_276 = tpu.vector_load %arg8[%get3A_274, %get3A_275] {strides = array<i32>} : memref<2x2000xi32, #tpu.memory_space<vmem>>, vector<16xi32>,
          %get3A_277 = arith.index_cast %and3A_239 : i32 to index
          %get3A_278 = arith.index_cast %add3A_273 : i32 to index
          %get3A_279 = tpu.vector_load %arg9[%get3A_277, %get3A_278] {strides = array<i32>} : memref<2x2000xi32, #tpu.memory_space<vmem>>, vector<16xi32>,
          %ge3A = vector.broadcast %mul3A_19 : i32 to vector<16xi32>
          %ge3A_280 = arith.cmpi sge, %get3A_268, %ge3A : vector<16xi32>
          %lt3A_281 = vector.broadcast %add3A_21 : i32 to vector<16xi32>
          %lt3A_282 = arith.cmpi slt, %get3A_268, %lt3A_281 : vector<16xi32>
          %and3A_283 = arith.andi %ge3A_280, %lt3A_282 : vector<16xi1>
          tpu.vector_store_idx %arg10[%scan3A_263], %get3A_271 masked %and3A_283 : memref<1024xi32, #tpu.memory_space<vmem>>[vector<16xi32>], vector<16xi32>, vector<16xi1>
          %sub3A = vector.broadcast %mul3A_19 : i32 to vector<16xi32>
          %sub3A_284 = arith.subi %get3A_268, %sub3A : vector<16xi32>
          tpu.vector_store_idx %arg11[%scan3A_263], %sub3A_284 masked %and3A_283 : memref<1024xi32, #tpu.memory_space<vmem>>[vector<16xi32>], vector<16xi32>, vector<16xi1>
          %jit3A = arith.constant 16 : i32
          %jit3A_285 = arith.constant 0 : i32
          %broadcast_in_dim3A_286 = vector.broadcast %jit3A : i32 to vector<16xi32>
          %broadcast_in_dim3A_287 = vector.broadcast %jit3A_285 : i32 to vector<16xi32>
          %select_n3A = arith.select %and3A_283, %broadcast_in_dim3A_286, %broadcast_in_dim3A_287 : vector<16xi1>, vector<16xi32>
          %add3A_288 = arith.addi %scan3A_263, %select_n3A : vector<16xi32>
          %add3A_289 = arith.constant 32 : i32
          %add3A_290 = arith.addi %mul3A_266, %add3A_289 : i32
          %get3A_291 = arith.index_cast %and3A_239 : i32 to index
          %get3A_292 = arith.index_cast %add3A_290 : i32 to index
          %get3A_293 = tpu.vector_load %arg8[%get3A_291, %get3A_292] {strides = array<i32>} : memref<2x2000xi32, #tpu.memory_space<vmem>>, vector<16xi32>,
          %get3A_294 = arith.index_cast %and3A_239 : i32 to index
          %get3A_295 = arith.index_cast %add3A_290 : i32 to index
          %get3A_296 = tpu.vector_load %arg9[%get3A_294, %get3A_295] {strides = array<i32>} : memref<2x2000xi32, #tpu.memory_space<vmem>>, vector<16xi32>,
          %ge3A_297 = vector.broadcast %mul3A_19 : i32 to vector<16xi32>
          %ge3A_298 = arith.cmpi sge, %get3A_276, %ge3A_297 : vector<16xi32>
          %lt3A_299 = vector.broadcast %add3A_21 : i32 to vector<16xi32>
          %lt3A_300 = arith.cmpi slt, %get3A_276, %lt3A_299 : vector<16xi32>
          %and3A_301 = arith.andi %ge3A_298, %lt3A_300 : vector<16xi1>
          tpu.vector_store_idx %arg10[%add3A_288], %get3A_279 masked %and3A_301 : memref<1024xi32, #tpu.memory_space<vmem>>[vector<16xi32>], vector<16xi32>, vector<16xi1>
          %sub3A_302 = vector.broadcast %mul3A_19 : i32 to vector<16xi32>
          %sub3A_303 = arith.subi %get3A_276, %sub3A_302 : vector<16xi32>
          tpu.vector_store_idx %arg11[%add3A_288], %sub3A_303 masked %and3A_301 : memref<1024xi32, #tpu.memory_space<vmem>>[vector<16xi32>], vector<16xi32>, vector<16xi1>
          %jit3A_304 = arith.constant 16 : i32
          %jit3A_305 = arith.constant 0 : i32
          %broadcast_in_dim3A_306 = vector.broadcast %jit3A_304 : i32 to vector<16xi32>
          %broadcast_in_dim3A_307 = vector.broadcast %jit3A_305 : i32 to vector<16xi32>
          %select_n3A_308 = arith.select %and3A_301, %broadcast_in_dim3A_306, %broadcast_in_dim3A_307 : vector<16xi1>, vector<16xi32>
          %add3A_309 = arith.addi %add3A_288, %select_n3A_308 : vector<16xi32>
          %add3A_310 = arith.constant 48 : i32
          %add3A_311 = arith.addi %mul3A_266, %add3A_310 : i32
          %get3A_312 = arith.index_cast %and3A_239 : i32 to index
          %get3A_313 = arith.index_cast %add3A_311 : i32 to index
          %get3A_314 = tpu.vector_load %arg8[%get3A_312, %get3A_313] {strides = array<i32>} : memref<2x2000xi32, #tpu.memory_space<vmem>>, vector<16xi32>,
          %get3A_315 = arith.index_cast %and3A_239 : i32 to index
          %get3A_316 = arith.index_cast %add3A_311 : i32 to index
          %get3A_317 = tpu.vector_load %arg9[%get3A_315, %get3A_316] {strides = array<i32>} : memref<2x2000xi32, #tpu.memory_space<vmem>>, vector<16xi32>,
          %ge3A_318 = vector.broadcast %mul3A_19 : i32 to vector<16xi32>
          %ge3A_319 = arith.cmpi sge, %get3A_293, %ge3A_318 : vector<16xi32>
          %lt3A_320 = vector.broadcast %add3A_21 : i32 to vector<16xi32>
          %lt3A_321 = arith.cmpi slt, %get3A_293, %lt3A_320 : vector<16xi32>
          %and3A_322 = arith.andi %ge3A_319, %lt3A_321 : vector<16xi1>
          tpu.vector_store_idx %arg10[%add3A_309], %get3A_296 masked %and3A_322 : memref<1024xi32, #tpu.memory_space<vmem>>[vector<16xi32>], vector<16xi32>, vector<16xi1>
          %sub3A_323 = vector.broadcast %mul3A_19 : i32 to vector<16xi32>
          %sub3A_324 = arith.subi %get3A_293, %sub3A_323 : vector<16xi32>
          tpu.vector_store_idx %arg11[%add3A_309], %sub3A_324 masked %and3A_322 : memref<1024xi32, #tpu.memory_space<vmem>>[vector<16xi32>], vector<16xi32>, vector<16xi1>
          %jit3A_325 = arith.constant 16 : i32
          %jit3A_326 = arith.constant 0 : i32
          %broadcast_in_dim3A_327 = vector.broadcast %jit3A_325 : i32 to vector<16xi32>
          %broadcast_in_dim3A_328 = vector.broadcast %jit3A_326 : i32 to vector<16xi32>
          %select_n3A_329 = arith.select %and3A_322, %broadcast_in_dim3A_327, %broadcast_in_dim3A_328 : vector<16xi1>, vector<16xi32>
          %add3A_330 = arith.addi %add3A_309, %select_n3A_329 : vector<16xi32>
          %add3A_331 = arith.constant 64 : i32
          %add3A_332 = arith.addi %mul3A_266, %add3A_331 : i32
          %get3A_333 = arith.index_cast %and3A_239 : i32 to index
          %get3A_334 = arith.index_cast %add3A_332 : i32 to index
          %get3A_335 = tpu.vector_load %arg8[%get3A_333, %get3A_334] {strides = array<i32>} : memref<2x2000xi32, #tpu.memory_space<vmem>>, vector<16xi32>,
          %get3A_336 = arith.index_cast %and3A_239 : i32 to index
          %get3A_337 = arith.index_cast %add3A_332 : i32 to index
          %get3A_338 = tpu.vector_load %arg9[%get3A_336, %get3A_337] {strides = array<i32>} : memref<2x2000xi32, #tpu.memory_space<vmem>>, vector<16xi32>,
          %ge3A_339 = vector.broadcast %mul3A_19 : i32 to vector<16xi32>
          %ge3A_340 = arith.cmpi sge, %get3A_314, %ge3A_339 : vector<16xi32>
          %lt3A_341 = vector.broadcast %add3A_21 : i32 to vector<16xi32>
          %lt3A_342 = arith.cmpi slt, %get3A_314, %lt3A_341 : vector<16xi32>
          %and3A_343 = arith.andi %ge3A_340, %lt3A_342 : vector<16xi1>
          tpu.vector_store_idx %arg10[%add3A_330], %get3A_317 masked %and3A_343 : memref<1024xi32, #tpu.memory_space<vmem>>[vector<16xi32>], vector<16xi32>, vector<16xi1>
          %sub3A_344 = vector.broadcast %mul3A_19 : i32 to vector<16xi32>
          %sub3A_345 = arith.subi %get3A_314, %sub3A_344 : vector<16xi32>
          tpu.vector_store_idx %arg11[%add3A_330], %sub3A_345 masked %and3A_343 : memref<1024xi32, #tpu.memory_space<vmem>>[vector<16xi32>], vector<16xi32>, vector<16xi1>
          %jit3A_346 = arith.constant 16 : i32
          %jit3A_347 = arith.constant 0 : i32
          %broadcast_in_dim3A_348 = vector.broadcast %jit3A_346 : i32 to vector<16xi32>
          %broadcast_in_dim3A_349 = vector.broadcast %jit3A_347 : i32 to vector<16xi32>
          %select_n3A_350 = arith.select %and3A_343, %broadcast_in_dim3A_348, %broadcast_in_dim3A_349 : vector<16xi1>, vector<16xi32>
          %add3A_351 = arith.addi %add3A_330, %select_n3A_350 : vector<16xi32>
          %add3A_352 = arith.constant 80 : i32
          %add3A_353 = arith.addi %mul3A_266, %add3A_352 : i32
          %get3A_354 = arith.index_cast %and3A_239 : i32 to index
          %get3A_355 = arith.index_cast %add3A_353 : i32 to index
          %get3A_356 = tpu.vector_load %arg8[%get3A_354, %get3A_355] {strides = array<i32>} : memref<2x2000xi32, #tpu.memory_space<vmem>>, vector<16xi32>,
          %get3A_357 = arith.index_cast %and3A_239 : i32 to index
          %get3A_358 = arith.index_cast %add3A_353 : i32 to index
          %get3A_359 = tpu.vector_load %arg9[%get3A_357, %get3A_358] {strides = array<i32>} : memref<2x2000xi32, #tpu.memory_space<vmem>>, vector<16xi32>,
          %ge3A_360 = vector.broadcast %mul3A_19 : i32 to vector<16xi32>
          %ge3A_361 = arith.cmpi sge, %get3A_335, %ge3A_360 : vector<16xi32>
          %lt3A_362 = vector.broadcast %add3A_21 : i32 to vector<16xi32>
          %lt3A_363 = arith.cmpi slt, %get3A_335, %lt3A_362 : vector<16xi32>
          %and3A_364 = arith.andi %ge3A_361, %lt3A_363 : vector<16xi1>
          tpu.vector_store_idx %arg10[%add3A_351], %get3A_338 masked %and3A_364 : memref<1024xi32, #tpu.memory_space<vmem>>[vector<16xi32>], vector<16xi32>, vector<16xi1>
          %sub3A_365 = vector.broadcast %mul3A_19 : i32 to vector<16xi32>
          %sub3A_366 = arith.subi %get3A_335, %sub3A_365 : vector<16xi32>
          tpu.vector_store_idx %arg11[%add3A_351], %sub3A_366 masked %and3A_364 : memref<1024xi32, #tpu.memory_space<vmem>>[vector<16xi32>], vector<16xi32>, vector<16xi1>
          %jit3A_367 = arith.constant 16 : i32
          %jit3A_368 = arith.constant 0 : i32
          %broadcast_in_dim3A_369 = vector.broadcast %jit3A_367 : i32 to vector<16xi32>
          %broadcast_in_dim3A_370 = vector.broadcast %jit3A_368 : i32 to vector<16xi32>
          %select_n3A_371 = arith.select %and3A_364, %broadcast_in_dim3A_369, %broadcast_in_dim3A_370 : vector<16xi1>, vector<16xi32>
          %add3A_372 = arith.addi %add3A_351, %select_n3A_371 : vector<16xi32>
          %add3A_373 = arith.constant 96 : i32
          %add3A_374 = arith.addi %mul3A_266, %add3A_373 : i32
          %get3A_375 = arith.index_cast %and3A_239 : i32 to index
          %get3A_376 = arith.index_cast %add3A_374 : i32 to index
          %get3A_377 = tpu.vector_load %arg8[%get3A_375, %get3A_376] {strides = array<i32>} : memref<2x2000xi32, #tpu.memory_space<vmem>>, vector<16xi32>,
          %get3A_378 = arith.index_cast %and3A_239 : i32 to index
          %get3A_379 = arith.index_cast %add3A_374 : i32 to index
          %get3A_380 = tpu.vector_load %arg9[%get3A_378, %get3A_379] {strides = array<i32>} : memref<2x2000xi32, #tpu.memory_space<vmem>>, vector<16xi32>,
          %ge3A_381 = vector.broadcast %mul3A_19 : i32 to vector<16xi32>
          %ge3A_382 = arith.cmpi sge, %get3A_356, %ge3A_381 : vector<16xi32>
          %lt3A_383 = vector.broadcast %add3A_21 : i32 to vector<16xi32>
          %lt3A_384 = arith.cmpi slt, %get3A_356, %lt3A_383 : vector<16xi32>
          %and3A_385 = arith.andi %ge3A_382, %lt3A_384 : vector<16xi1>
          tpu.vector_store_idx %arg10[%add3A_372], %get3A_359 masked %and3A_385 : memref<1024xi32, #tpu.memory_space<vmem>>[vector<16xi32>], vector<16xi32>, vector<16xi1>
          %sub3A_386 = vector.broadcast %mul3A_19 : i32 to vector<16xi32>
          %sub3A_387 = arith.subi %get3A_356, %sub3A_386 : vector<16xi32>
          tpu.vector_store_idx %arg11[%add3A_372], %sub3A_387 masked %and3A_385 : memref<1024xi32, #tpu.memory_space<vmem>>[vector<16xi32>], vector<16xi32>, vector<16xi1>
          %jit3A_388 = arith.constant 16 : i32
          %jit3A_389 = arith.constant 0 : i32
          %broadcast_in_dim3A_390 = vector.broadcast %jit3A_388 : i32 to vector<16xi32>
          %broadcast_in_dim3A_391 = vector.broadcast %jit3A_389 : i32 to vector<16xi32>
          %select_n3A_392 = arith.select %and3A_385, %broadcast_in_dim3A_390, %broadcast_in_dim3A_391 : vector<16xi1>, vector<16xi32>
          %add3A_393 = arith.addi %add3A_372, %select_n3A_392 : vector<16xi32>
          %add3A_394 = arith.constant 112 : i32
          %add3A_395 = arith.addi %mul3A_266, %add3A_394 : i32
          %get3A_396 = arith.index_cast %and3A_239 : i32 to index
          %get3A_397 = arith.index_cast %add3A_395 : i32 to index
          %get3A_398 = tpu.vector_load %arg8[%get3A_396, %get3A_397] {strides = array<i32>} : memref<2x2000xi32, #tpu.memory_space<vmem>>, vector<16xi32>,
          %get3A_399 = arith.index_cast %and3A_239 : i32 to index
          %get3A_400 = arith.index_cast %add3A_395 : i32 to index
          %get3A_401 = tpu.vector_load %arg9[%get3A_399, %get3A_400] {strides = array<i32>} : memref<2x2000xi32, #tpu.memory_space<vmem>>, vector<16xi32>,
          %ge3A_402 = vector.broadcast %mul3A_19 : i32 to vector<16xi32>
          %ge3A_403 = arith.cmpi sge, %get3A_377, %ge3A_402 : vector<16xi32>
          %lt3A_404 = vector.broadcast %add3A_21 : i32 to vector<16xi32>
          %lt3A_405 = arith.cmpi slt, %get3A_377, %lt3A_404 : vector<16xi32>
          %and3A_406 = arith.andi %ge3A_403, %lt3A_405 : vector<16xi1>
          tpu.vector_store_idx %arg10[%add3A_393], %get3A_380 masked %and3A_406 : memref<1024xi32, #tpu.memory_space<vmem>>[vector<16xi32>], vector<16xi32>, vector<16xi1>
          %sub3A_407 = vector.broadcast %mul3A_19 : i32 to vector<16xi32>
          %sub3A_408 = arith.subi %get3A_377, %sub3A_407 : vector<16xi32>
          tpu.vector_store_idx %arg11[%add3A_393], %sub3A_408 masked %and3A_406 : memref<1024xi32, #tpu.memory_space<vmem>>[vector<16xi32>], vector<16xi32>, vector<16xi1>
          %jit3A_409 = arith.constant 16 : i32
          %jit3A_410 = arith.constant 0 : i32
          %broadcast_in_dim3A_411 = vector.broadcast %jit3A_409 : i32 to vector<16xi32>
          %broadcast_in_dim3A_412 = vector.broadcast %jit3A_410 : i32 to vector<16xi32>
          %select_n3A_413 = arith.select %and3A_406, %broadcast_in_dim3A_411, %broadcast_in_dim3A_412 : vector<16xi1>, vector<16xi32>
          %add3A_414 = arith.addi %add3A_393, %select_n3A_413 : vector<16xi32>
          %add3A_415 = arith.constant 128 : i32
          %add3A_416 = arith.addi %mul3A_266, %add3A_415 : i32
          %get3A_417 = arith.index_cast %and3A_239 : i32 to index
          %get3A_418 = arith.index_cast %add3A_416 : i32 to index
          %get3A_419 = tpu.vector_load %arg8[%get3A_417, %get3A_418] {strides = array<i32>} : memref<2x2000xi32, #tpu.memory_space<vmem>>, vector<16xi32>,
          %get3A_420 = arith.index_cast %and3A_239 : i32 to index
          %get3A_421 = arith.index_cast %add3A_416 : i32 to index
          %get3A_422 = tpu.vector_load %arg9[%get3A_420, %get3A_421] {strides = array<i32>} : memref<2x2000xi32, #tpu.memory_space<vmem>>, vector<16xi32>,
          %ge3A_423 = vector.broadcast %mul3A_19 : i32 to vector<16xi32>
          %ge3A_424 = arith.cmpi sge, %get3A_398, %ge3A_423 : vector<16xi32>
          %lt3A_425 = vector.broadcast %add3A_21 : i32 to vector<16xi32>
          %lt3A_426 = arith.cmpi slt, %get3A_398, %lt3A_425 : vector<16xi32>
          %and3A_427 = arith.andi %ge3A_424, %lt3A_426 : vector<16xi1>
          tpu.vector_store_idx %arg10[%add3A_414], %get3A_401 masked %and3A_427 : memref<1024xi32, #tpu.memory_space<vmem>>[vector<16xi32>], vector<16xi32>, vector<16xi1>
          %sub3A_428 = vector.broadcast %mul3A_19 : i32 to vector<16xi32>
          %sub3A_429 = arith.subi %get3A_398, %sub3A_428 : vector<16xi32>
          tpu.vector_store_idx %arg11[%add3A_414], %sub3A_429 masked %and3A_427 : memref<1024xi32, #tpu.memory_space<vmem>>[vector<16xi32>], vector<16xi32>, vector<16xi1>
          %jit3A_430 = arith.constant 16 : i32
          %jit3A_431 = arith.constant 0 : i32
          %broadcast_in_dim3A_432 = vector.broadcast %jit3A_430 : i32 to vector<16xi32>
          %broadcast_in_dim3A_433 = vector.broadcast %jit3A_431 : i32 to vector<16xi32>
          %select_n3A_434 = arith.select %and3A_427, %broadcast_in_dim3A_432, %broadcast_in_dim3A_433 : vector<16xi1>, vector<16xi32>
          %add3A_435 = arith.addi %add3A_414, %select_n3A_434 : vector<16xi32>
          %add3A_436 = arith.constant 144 : i32
          %add3A_437 = arith.addi %mul3A_266, %add3A_436 : i32
          %get3A_438 = arith.index_cast %and3A_239 : i32 to index
          %get3A_439 = arith.index_cast %add3A_437 : i32 to index
          %get3A_440 = tpu.vector_load %arg8[%get3A_438, %get3A_439] {strides = array<i32>} : memref<2x2000xi32, #tpu.memory_space<vmem>>, vector<16xi32>,
          %get3A_441 = arith.index_cast %and3A_239 : i32 to index
          %get3A_442 = arith.index_cast %add3A_437 : i32 to index
          %get3A_443 = tpu.vector_load %arg9[%get3A_441, %get3A_442] {strides = array<i32>} : memref<2x2000xi32, #tpu.memory_space<vmem>>, vector<16xi32>,
          %ge3A_444 = vector.broadcast %mul3A_19 : i32 to vector<16xi32>
          %ge3A_445 = arith.cmpi sge, %get3A_419, %ge3A_444 : vector<16xi32>
          %lt3A_446 = vector.broadcast %add3A_21 : i32 to vector<16xi32>
          %lt3A_447 = arith.cmpi slt, %get3A_419, %lt3A_446 : vector<16xi32>
          %and3A_448 = arith.andi %ge3A_445, %lt3A_447 : vector<16xi1>
          tpu.vector_store_idx %arg10[%add3A_435], %get3A_422 masked %and3A_448 : memref<1024xi32, #tpu.memory_space<vmem>>[vector<16xi32>], vector<16xi32>, vector<16xi1>
          %sub3A_449 = vector.broadcast %mul3A_19 : i32 to vector<16xi32>
          %sub3A_450 = arith.subi %get3A_419, %sub3A_449 : vector<16xi32>
          tpu.vector_store_idx %arg11[%add3A_435], %sub3A_450 masked %and3A_448 : memref<1024xi32, #tpu.memory_space<vmem>>[vector<16xi32>], vector<16xi32>, vector<16xi1>
          %jit3A_451 = arith.constant 16 : i32
          %jit3A_452 = arith.constant 0 : i32
          %broadcast_in_dim3A_453 = vector.broadcast %jit3A_451 : i32 to vector<16xi32>
          %broadcast_in_dim3A_454 = vector.broadcast %jit3A_452 : i32 to vector<16xi32>
          %select_n3A_455 = arith.select %and3A_448, %broadcast_in_dim3A_453, %broadcast_in_dim3A_454 : vector<16xi1>, vector<16xi32>
          %add3A_456 = arith.addi %add3A_435, %select_n3A_455 : vector<16xi32>
          %add3A_457 = arith.constant 160 : i32
          %add3A_458 = arith.addi %mul3A_266, %add3A_457 : i32
          %get3A_459 = arith.index_cast %and3A_239 : i32 to index
          %get3A_460 = arith.index_cast %add3A_458 : i32 to index
          %get3A_461 = tpu.vector_load %arg8[%get3A_459, %get3A_460] {strides = array<i32>} : memref<2x2000xi32, #tpu.memory_space<vmem>>, vector<16xi32>,
          %get3A_462 = arith.index_cast %and3A_239 : i32 to index
          %get3A_463 = arith.index_cast %add3A_458 : i32 to index
          %get3A_464 = tpu.vector_load %arg9[%get3A_462, %get3A_463] {strides = array<i32>} : memref<2x2000xi32, #tpu.memory_space<vmem>>, vector<16xi32>,
          %ge3A_465 = vector.broadcast %mul3A_19 : i32 to vector<16xi32>
          %ge3A_466 = arith.cmpi sge, %get3A_440, %ge3A_465 : vector<16xi32>
          %lt3A_467 = vector.broadcast %add3A_21 : i32 to vector<16xi32>
          %lt3A_468 = arith.cmpi slt, %get3A_440, %lt3A_467 : vector<16xi32>
          %and3A_469 = arith.andi %ge3A_466, %lt3A_468 : vector<16xi1>
          tpu.vector_store_idx %arg10[%add3A_456], %get3A_443 masked %and3A_469 : memref<1024xi32, #tpu.memory_space<vmem>>[vector<16xi32>], vector<16xi32>, vector<16xi1>
          %sub3A_470 = vector.broadcast %mul3A_19 : i32 to vector<16xi32>
          %sub3A_471 = arith.subi %get3A_440, %sub3A_470 : vector<16xi32>
          tpu.vector_store_idx %arg11[%add3A_456], %sub3A_471 masked %and3A_469 : memref<1024xi32, #tpu.memory_space<vmem>>[vector<16xi32>], vector<16xi32>, vector<16xi1>
          %jit3A_472 = arith.constant 16 : i32
          %jit3A_473 = arith.constant 0 : i32
          %broadcast_in_dim3A_474 = vector.broadcast %jit3A_472 : i32 to vector<16xi32>
          %broadcast_in_dim3A_475 = vector.broadcast %jit3A_473 : i32 to vector<16xi32>
          %select_n3A_476 = arith.select %and3A_469, %broadcast_in_dim3A_474, %broadcast_in_dim3A_475 : vector<16xi1>, vector<16xi32>
          %add3A_477 = arith.addi %add3A_456, %select_n3A_476 : vector<16xi32>
          %add3A_478 = arith.constant 176 : i32
          %add3A_479 = arith.addi %mul3A_266, %add3A_478 : i32
          %get3A_480 = arith.index_cast %and3A_239 : i32 to index
          %get3A_481 = arith.index_cast %add3A_479 : i32 to index
          %get3A_482 = tpu.vector_load %arg8[%get3A_480, %get3A_481] {strides = array<i32>} : memref<2x2000xi32, #tpu.memory_space<vmem>>, vector<16xi32>,
          %get3A_483 = arith.index_cast %and3A_239 : i32 to index
          %get3A_484 = arith.index_cast %add3A_479 : i32 to index
          %get3A_485 = tpu.vector_load %arg9[%get3A_483, %get3A_484] {strides = array<i32>} : memref<2x2000xi32, #tpu.memory_space<vmem>>, vector<16xi32>,
          %ge3A_486 = vector.broadcast %mul3A_19 : i32 to vector<16xi32>
          %ge3A_487 = arith.cmpi sge, %get3A_461, %ge3A_486 : vector<16xi32>
          %lt3A_488 = vector.broadcast %add3A_21 : i32 to vector<16xi32>
          %lt3A_489 = arith.cmpi slt, %get3A_461, %lt3A_488 : vector<16xi32>
          %and3A_490 = arith.andi %ge3A_487, %lt3A_489 : vector<16xi1>
          tpu.vector_store_idx %arg10[%add3A_477], %get3A_464 masked %and3A_490 : memref<1024xi32, #tpu.memory_space<vmem>>[vector<16xi32>], vector<16xi32>, vector<16xi1>
          %sub3A_491 = vector.broadcast %mul3A_19 : i32 to vector<16xi32>
          %sub3A_492 = arith.subi %get3A_461, %sub3A_491 : vector<16xi32>
          tpu.vector_store_idx %arg11[%add3A_477], %sub3A_492 masked %and3A_490 : memref<1024xi32, #tpu.memory_space<vmem>>[vector<16xi32>], vector<16xi32>, vector<16xi1>
          %jit3A_493 = arith.constant 16 : i32
          %jit3A_494 = arith.constant 0 : i32
          %broadcast_in_dim3A_495 = vector.broadcast %jit3A_493 : i32 to vector<16xi32>
          %broadcast_in_dim3A_496 = vector.broadcast %jit3A_494 : i32 to vector<16xi32>
          %select_n3A_497 = arith.select %and3A_490, %broadcast_in_dim3A_495, %broadcast_in_dim3A_496 : vector<16xi1>, vector<16xi32>
          %add3A_498 = arith.addi %add3A_477, %select_n3A_497 : vector<16xi32>
          %add3A_499 = arith.constant 192 : i32
          %add3A_500 = arith.addi %mul3A_266, %add3A_499 : i32
          %get3A_501 = arith.index_cast %and3A_239 : i32 to index
          %get3A_502 = arith.index_cast %add3A_500 : i32 to index
          %get3A_503 = tpu.vector_load %arg8[%get3A_501, %get3A_502] {strides = array<i32>} : memref<2x2000xi32, #tpu.memory_space<vmem>>, vector<16xi32>,
          %get3A_504 = arith.index_cast %and3A_239 : i32 to index
          %get3A_505 = arith.index_cast %add3A_500 : i32 to index
          %get3A_506 = tpu.vector_load %arg9[%get3A_504, %get3A_505] {strides = array<i32>} : memref<2x2000xi32, #tpu.memory_space<vmem>>, vector<16xi32>,
          %ge3A_507 = vector.broadcast %mul3A_19 : i32 to vector<16xi32>
          %ge3A_508 = arith.cmpi sge, %get3A_482, %ge3A_507 : vector<16xi32>
          %lt3A_509 = vector.broadcast %add3A_21 : i32 to vector<16xi32>
          %lt3A_510 = arith.cmpi slt, %get3A_482, %lt3A_509 : vector<16xi32>
          %and3A_511 = arith.andi %ge3A_508, %lt3A_510 : vector<16xi1>
          tpu.vector_store_idx %arg10[%add3A_498], %get3A_485 masked %and3A_511 : memref<1024xi32, #tpu.memory_space<vmem>>[vector<16xi32>], vector<16xi32>, vector<16xi1>
          %sub3A_512 = vector.broadcast %mul3A_19 : i32 to vector<16xi32>
          %sub3A_513 = arith.subi %get3A_482, %sub3A_512 : vector<16xi32>
          tpu.vector_store_idx %arg11[%add3A_498], %sub3A_513 masked %and3A_511 : memref<1024xi32, #tpu.memory_space<vmem>>[vector<16xi32>], vector<16xi32>, vector<16xi1>
          %jit3A_514 = arith.constant 16 : i32
          %jit3A_515 = arith.constant 0 : i32
          %broadcast_in_dim3A_516 = vector.broadcast %jit3A_514 : i32 to vector<16xi32>
          %broadcast_in_dim3A_517 = vector.broadcast %jit3A_515 : i32 to vector<16xi32>
          %select_n3A_518 = arith.select %and3A_511, %broadcast_in_dim3A_516, %broadcast_in_dim3A_517 : vector<16xi1>, vector<16xi32>
          %add3A_519 = arith.addi %add3A_498, %select_n3A_518 : vector<16xi32>
          %add3A_520 = arith.constant 208 : i32
          %add3A_521 = arith.addi %mul3A_266, %add3A_520 : i32
          %get3A_522 = arith.index_cast %and3A_239 : i32 to index
          %get3A_523 = arith.index_cast %add3A_521 : i32 to index
          %get3A_524 = tpu.vector_load %arg8[%get3A_522, %get3A_523] {strides = array<i32>} : memref<2x2000xi32, #tpu.memory_space<vmem>>, vector<16xi32>,
          %get3A_525 = arith.index_cast %and3A_239 : i32 to index
          %get3A_526 = arith.index_cast %add3A_521 : i32 to index
          %get3A_527 = tpu.vector_load %arg9[%get3A_525, %get3A_526] {strides = array<i32>} : memref<2x2000xi32, #tpu.memory_space<vmem>>, vector<16xi32>,
          %ge3A_528 = vector.broadcast %mul3A_19 : i32 to vector<16xi32>
          %ge3A_529 = arith.cmpi sge, %get3A_503, %ge3A_528 : vector<16xi32>
          %lt3A_530 = vector.broadcast %add3A_21 : i32 to vector<16xi32>
          %lt3A_531 = arith.cmpi slt, %get3A_503, %lt3A_530 : vector<16xi32>
          %and3A_532 = arith.andi %ge3A_529, %lt3A_531 : vector<16xi1>
          tpu.vector_store_idx %arg10[%add3A_519], %get3A_506 masked %and3A_532 : memref<1024xi32, #tpu.memory_space<vmem>>[vector<16xi32>], vector<16xi32>, vector<16xi1>
          %sub3A_533 = vector.broadcast %mul3A_19 : i32 to vector<16xi32>
          %sub3A_534 = arith.subi %get3A_503, %sub3A_533 : vector<16xi32>
          tpu.vector_store_idx %arg11[%add3A_519], %sub3A_534 masked %and3A_532 : memref<1024xi32, #tpu.memory_space<vmem>>[vector<16xi32>], vector<16xi32>, vector<16xi1>
          %jit3A_535 = arith.constant 16 : i32
          %jit3A_536 = arith.constant 0 : i32
          %broadcast_in_dim3A_537 = vector.broadcast %jit3A_535 : i32 to vector<16xi32>
          %broadcast_in_dim3A_538 = vector.broadcast %jit3A_536 : i32 to vector<16xi32>
          %select_n3A_539 = arith.select %and3A_532, %broadcast_in_dim3A_537, %broadcast_in_dim3A_538 : vector<16xi1>, vector<16xi32>
          %add3A_540 = arith.addi %add3A_519, %select_n3A_539 : vector<16xi32>
          %add3A_541 = arith.constant 224 : i32
          %add3A_542 = arith.addi %mul3A_266, %add3A_541 : i32
          %get3A_543 = arith.index_cast %and3A_239 : i32 to index
          %get3A_544 = arith.index_cast %add3A_542 : i32 to index
          %get3A_545 = tpu.vector_load %arg8[%get3A_543, %get3A_544] {strides = array<i32>} : memref<2x2000xi32, #tpu.memory_space<vmem>>, vector<16xi32>,
          %get3A_546 = arith.index_cast %and3A_239 : i32 to index
          %get3A_547 = arith.index_cast %add3A_542 : i32 to index
          %get3A_548 = tpu.vector_load %arg9[%get3A_546, %get3A_547] {strides = array<i32>} : memref<2x2000xi32, #tpu.memory_space<vmem>>, vector<16xi32>,
          %ge3A_549 = vector.broadcast %mul3A_19 : i32 to vector<16xi32>
          %ge3A_550 = arith.cmpi sge, %get3A_524, %ge3A_549 : vector<16xi32>
          %lt3A_551 = vector.broadcast %add3A_21 : i32 to vector<16xi32>
          %lt3A_552 = arith.cmpi slt, %get3A_524, %lt3A_551 : vector<16xi32>
          %and3A_553 = arith.andi %ge3A_550, %lt3A_552 : vector<16xi1>
          tpu.vector_store_idx %arg10[%add3A_540], %get3A_527 masked %and3A_553 : memref<1024xi32, #tpu.memory_space<vmem>>[vector<16xi32>], vector<16xi32>, vector<16xi1>
          %sub3A_554 = vector.broadcast %mul3A_19 : i32 to vector<16xi32>
          %sub3A_555 = arith.subi %get3A_524, %sub3A_554 : vector<16xi32>
          tpu.vector_store_idx %arg11[%add3A_540], %sub3A_555 masked %and3A_553 : memref<1024xi32, #tpu.memory_space<vmem>>[vector<16xi32>], vector<16xi32>, vector<16xi1>
          %jit3A_556 = arith.constant 16 : i32
          %jit3A_557 = arith.constant 0 : i32
          %broadcast_in_dim3A_558 = vector.broadcast %jit3A_556 : i32 to vector<16xi32>
          %broadcast_in_dim3A_559 = vector.broadcast %jit3A_557 : i32 to vector<16xi32>
          %select_n3A_560 = arith.select %and3A_553, %broadcast_in_dim3A_558, %broadcast_in_dim3A_559 : vector<16xi1>, vector<16xi32>
          %add3A_561 = arith.addi %add3A_540, %select_n3A_560 : vector<16xi32>
          %add3A_562 = arith.constant 240 : i32
          %add3A_563 = arith.addi %mul3A_266, %add3A_562 : i32
          %get3A_564 = arith.index_cast %and3A_239 : i32 to index
          %get3A_565 = arith.index_cast %add3A_563 : i32 to index
          %get3A_566 = tpu.vector_load %arg8[%get3A_564, %get3A_565] {strides = array<i32>} : memref<2x2000xi32, #tpu.memory_space<vmem>>, vector<16xi32>,
          %get3A_567 = arith.index_cast %and3A_239 : i32 to index
          %get3A_568 = arith.index_cast %add3A_563 : i32 to index
          %get3A_569 = tpu.vector_load %arg9[%get3A_567, %get3A_568] {strides = array<i32>} : memref<2x2000xi32, #tpu.memory_space<vmem>>, vector<16xi32>,
          %ge3A_570 = vector.broadcast %mul3A_19 : i32 to vector<16xi32>
          %ge3A_571 = arith.cmpi sge, %get3A_545, %ge3A_570 : vector<16xi32>
          %lt3A_572 = vector.broadcast %add3A_21 : i32 to vector<16xi32>
          %lt3A_573 = arith.cmpi slt, %get3A_545, %lt3A_572 : vector<16xi32>
          %and3A_574 = arith.andi %ge3A_571, %lt3A_573 : vector<16xi1>
          tpu.vector_store_idx %arg10[%add3A_561], %get3A_548 masked %and3A_574 : memref<1024xi32, #tpu.memory_space<vmem>>[vector<16xi32>], vector<16xi32>, vector<16xi1>
          %sub3A_575 = vector.broadcast %mul3A_19 : i32 to vector<16xi32>
          %sub3A_576 = arith.subi %get3A_545, %sub3A_575 : vector<16xi32>
          tpu.vector_store_idx %arg11[%add3A_561], %sub3A_576 masked %and3A_574 : memref<1024xi32, #tpu.memory_space<vmem>>[vector<16xi32>], vector<16xi32>, vector<16xi1>
          %jit3A_577 = arith.constant 16 : i32
          %jit3A_578 = arith.constant 0 : i32
          %broadcast_in_dim3A_579 = vector.broadcast %jit3A_577 : i32 to vector<16xi32>
          %broadcast_in_dim3A_580 = vector.broadcast %jit3A_578 : i32 to vector<16xi32>
          %select_n3A_581 = arith.select %and3A_574, %broadcast_in_dim3A_579, %broadcast_in_dim3A_580 : vector<16xi1>, vector<16xi32>
          %add3A_582 = arith.addi %add3A_561, %select_n3A_581 : vector<16xi32>
          %add3A_583 = arith.constant 256 : i32
          %add3A_584 = arith.addi %mul3A_266, %add3A_583 : i32
          %get3A_585 = arith.index_cast %and3A_239 : i32 to index
          %get3A_586 = arith.index_cast %add3A_584 : i32 to index
          %get3A_587 = tpu.vector_load %arg8[%get3A_585, %get3A_586] {strides = array<i32>} : memref<2x2000xi32, #tpu.memory_space<vmem>>, vector<16xi32>,
          %get3A_588 = arith.index_cast %and3A_239 : i32 to index
          %get3A_589 = arith.index_cast %add3A_584 : i32 to index
          %get3A_590 = tpu.vector_load %arg9[%get3A_588, %get3A_589] {strides = array<i32>} : memref<2x2000xi32, #tpu.memory_space<vmem>>, vector<16xi32>,
          %ge3A_591 = vector.broadcast %mul3A_19 : i32 to vector<16xi32>
          %ge3A_592 = arith.cmpi sge, %get3A_566, %ge3A_591 : vector<16xi32>
          %lt3A_593 = vector.broadcast %add3A_21 : i32 to vector<16xi32>
          %lt3A_594 = arith.cmpi slt, %get3A_566, %lt3A_593 : vector<16xi32>
          %and3A_595 = arith.andi %ge3A_592, %lt3A_594 : vector<16xi1>
          tpu.vector_store_idx %arg10[%add3A_582], %get3A_569 masked %and3A_595 : memref<1024xi32, #tpu.memory_space<vmem>>[vector<16xi32>], vector<16xi32>, vector<16xi1>
          %sub3A_596 = vector.broadcast %mul3A_19 : i32 to vector<16xi32>
          %sub3A_597 = arith.subi %get3A_566, %sub3A_596 : vector<16xi32>
          tpu.vector_store_idx %arg11[%add3A_582], %sub3A_597 masked %and3A_595 : memref<1024xi32, #tpu.memory_space<vmem>>[vector<16xi32>], vector<16xi32>, vector<16xi1>
          %jit3A_598 = arith.constant 16 : i32
          %jit3A_599 = arith.constant 0 : i32
          %broadcast_in_dim3A_600 = vector.broadcast %jit3A_598 : i32 to vector<16xi32>
          %broadcast_in_dim3A_601 = vector.broadcast %jit3A_599 : i32 to vector<16xi32>
          %select_n3A_602 = arith.select %and3A_595, %broadcast_in_dim3A_600, %broadcast_in_dim3A_601 : vector<16xi1>, vector<16xi32>
          %add3A_603 = arith.addi %add3A_582, %select_n3A_602 : vector<16xi32>
          %add3A_604 = arith.constant 272 : i32
          %add3A_605 = arith.addi %mul3A_266, %add3A_604 : i32
          %get3A_606 = arith.index_cast %and3A_239 : i32 to index
          %get3A_607 = arith.index_cast %add3A_605 : i32 to index
          %get3A_608 = tpu.vector_load %arg8[%get3A_606, %get3A_607] {strides = array<i32>} : memref<2x2000xi32, #tpu.memory_space<vmem>>, vector<16xi32>,
          %get3A_609 = arith.index_cast %and3A_239 : i32 to index
          %get3A_610 = arith.index_cast %add3A_605 : i32 to index
          %get3A_611 = tpu.vector_load %arg9[%get3A_609, %get3A_610] {strides = array<i32>} : memref<2x2000xi32, #tpu.memory_space<vmem>>, vector<16xi32>,
          %ge3A_612 = vector.broadcast %mul3A_19 : i32 to vector<16xi32>
          %ge3A_613 = arith.cmpi sge, %get3A_587, %ge3A_612 : vector<16xi32>
          %lt3A_614 = vector.broadcast %add3A_21 : i32 to vector<16xi32>
          %lt3A_615 = arith.cmpi slt, %get3A_587, %lt3A_614 : vector<16xi32>
          %and3A_616 = arith.andi %ge3A_613, %lt3A_615 : vector<16xi1>
          tpu.vector_store_idx %arg10[%add3A_603], %get3A_590 masked %and3A_616 : memref<1024xi32, #tpu.memory_space<vmem>>[vector<16xi32>], vector<16xi32>, vector<16xi1>
          %sub3A_617 = vector.broadcast %mul3A_19 : i32 to vector<16xi32>
          %sub3A_618 = arith.subi %get3A_587, %sub3A_617 : vector<16xi32>
          tpu.vector_store_idx %arg11[%add3A_603], %sub3A_618 masked %and3A_616 : memref<1024xi32, #tpu.memory_space<vmem>>[vector<16xi32>], vector<16xi32>, vector<16xi1>
          %jit3A_619 = arith.constant 16 : i32
          %jit3A_620 = arith.constant 0 : i32
          %broadcast_in_dim3A_621 = vector.broadcast %jit3A_619 : i32 to vector<16xi32>
          %broadcast_in_dim3A_622 = vector.broadcast %jit3A_620 : i32 to vector<16xi32>
          %select_n3A_623 = arith.select %and3A_616, %broadcast_in_dim3A_621, %broadcast_in_dim3A_622 : vector<16xi1>, vector<16xi32>
          %add3A_624 = arith.addi %add3A_603, %select_n3A_623 : vector<16xi32>
          %add3A_625 = arith.constant 288 : i32
          %add3A_626 = arith.addi %mul3A_266, %add3A_625 : i32
          %get3A_627 = arith.index_cast %and3A_239 : i32 to index
          %get3A_628 = arith.index_cast %add3A_626 : i32 to index
          %get3A_629 = tpu.vector_load %arg8[%get3A_627, %get3A_628] {strides = array<i32>} : memref<2x2000xi32, #tpu.memory_space<vmem>>, vector<16xi32>,
          %get3A_630 = arith.index_cast %and3A_239 : i32 to index
          %get3A_631 = arith.index_cast %add3A_626 : i32 to index
          %get3A_632 = tpu.vector_load %arg9[%get3A_630, %get3A_631] {strides = array<i32>} : memref<2x2000xi32, #tpu.memory_space<vmem>>, vector<16xi32>,
          %ge3A_633 = vector.broadcast %mul3A_19 : i32 to vector<16xi32>
          %ge3A_634 = arith.cmpi sge, %get3A_608, %ge3A_633 : vector<16xi32>
          %lt3A_635 = vector.broadcast %add3A_21 : i32 to vector<16xi32>
          %lt3A_636 = arith.cmpi slt, %get3A_608, %lt3A_635 : vector<16xi32>
          %and3A_637 = arith.andi %ge3A_634, %lt3A_636 : vector<16xi1>
          tpu.vector_store_idx %arg10[%add3A_624], %get3A_611 masked %and3A_637 : memref<1024xi32, #tpu.memory_space<vmem>>[vector<16xi32>], vector<16xi32>, vector<16xi1>
          %sub3A_638 = vector.broadcast %mul3A_19 : i32 to vector<16xi32>
          %sub3A_639 = arith.subi %get3A_608, %sub3A_638 : vector<16xi32>
          tpu.vector_store_idx %arg11[%add3A_624], %sub3A_639 masked %and3A_637 : memref<1024xi32, #tpu.memory_space<vmem>>[vector<16xi32>], vector<16xi32>, vector<16xi1>
          %jit3A_640 = arith.constant 16 : i32
          %jit3A_641 = arith.constant 0 : i32
          %broadcast_in_dim3A_642 = vector.broadcast %jit3A_640 : i32 to vector<16xi32>
          %broadcast_in_dim3A_643 = vector.broadcast %jit3A_641 : i32 to vector<16xi32>
          %select_n3A_644 = arith.select %and3A_637, %broadcast_in_dim3A_642, %broadcast_in_dim3A_643 : vector<16xi1>, vector<16xi32>
          %add3A_645 = arith.addi %add3A_624, %select_n3A_644 : vector<16xi32>
          %add3A_646 = arith.constant 304 : i32
          %add3A_647 = arith.addi %mul3A_266, %add3A_646 : i32
          %get3A_648 = arith.index_cast %and3A_239 : i32 to index
          %get3A_649 = arith.index_cast %add3A_647 : i32 to index
          %get3A_650 = tpu.vector_load %arg8[%get3A_648, %get3A_649] {strides = array<i32>} : memref<2x2000xi32, #tpu.memory_space<vmem>>, vector<16xi32>,
          %get3A_651 = arith.index_cast %and3A_239 : i32 to index
          %get3A_652 = arith.index_cast %add3A_647 : i32 to index
          %get3A_653 = tpu.vector_load %arg9[%get3A_651, %get3A_652] {strides = array<i32>} : memref<2x2000xi32, #tpu.memory_space<vmem>>, vector<16xi32>,
          %ge3A_654 = vector.broadcast %mul3A_19 : i32 to vector<16xi32>
          %ge3A_655 = arith.cmpi sge, %get3A_629, %ge3A_654 : vector<16xi32>
          %lt3A_656 = vector.broadcast %add3A_21 : i32 to vector<16xi32>
          %lt3A_657 = arith.cmpi slt, %get3A_629, %lt3A_656 : vector<16xi32>
          %and3A_658 = arith.andi %ge3A_655, %lt3A_657 : vector<16xi1>
          tpu.vector_store_idx %arg10[%add3A_645], %get3A_632 masked %and3A_658 : memref<1024xi32, #tpu.memory_space<vmem>>[vector<16xi32>], vector<16xi32>, vector<16xi1>
          %sub3A_659 = vector.broadcast %mul3A_19 : i32 to vector<16xi32>
          %sub3A_660 = arith.subi %get3A_629, %sub3A_659 : vector<16xi32>
          tpu.vector_store_idx %arg11[%add3A_645], %sub3A_660 masked %and3A_658 : memref<1024xi32, #tpu.memory_space<vmem>>[vector<16xi32>], vector<16xi32>, vector<16xi1>
          %jit3A_661 = arith.constant 16 : i32
          %jit3A_662 = arith.constant 0 : i32
          %broadcast_in_dim3A_663 = vector.broadcast %jit3A_661 : i32 to vector<16xi32>
          %broadcast_in_dim3A_664 = vector.broadcast %jit3A_662 : i32 to vector<16xi32>
          %select_n3A_665 = arith.select %and3A_658, %broadcast_in_dim3A_663, %broadcast_in_dim3A_664 : vector<16xi1>, vector<16xi32>
          %add3A_666 = arith.addi %add3A_645, %select_n3A_665 : vector<16xi32>
          %add3A_667 = arith.constant 320 : i32
          %add3A_668 = arith.addi %mul3A_266, %add3A_667 : i32
          %get3A_669 = arith.index_cast %and3A_239 : i32 to index
          %get3A_670 = arith.index_cast %add3A_668 : i32 to index
          %get3A_671 = tpu.vector_load %arg8[%get3A_669, %get3A_670] {strides = array<i32>} : memref<2x2000xi32, #tpu.memory_space<vmem>>, vector<16xi32>,
          %get3A_672 = arith.index_cast %and3A_239 : i32 to index
          %get3A_673 = arith.index_cast %add3A_668 : i32 to index
          %get3A_674 = tpu.vector_load %arg9[%get3A_672, %get3A_673] {strides = array<i32>} : memref<2x2000xi32, #tpu.memory_space<vmem>>, vector<16xi32>,
          %ge3A_675 = vector.broadcast %mul3A_19 : i32 to vector<16xi32>
          %ge3A_676 = arith.cmpi sge, %get3A_650, %ge3A_675 : vector<16xi32>
          %lt3A_677 = vector.broadcast %add3A_21 : i32 to vector<16xi32>
          %lt3A_678 = arith.cmpi slt, %get3A_650, %lt3A_677 : vector<16xi32>
          %and3A_679 = arith.andi %ge3A_676, %lt3A_678 : vector<16xi1>
          tpu.vector_store_idx %arg10[%add3A_666], %get3A_653 masked %and3A_679 : memref<1024xi32, #tpu.memory_space<vmem>>[vector<16xi32>], vector<16xi32>, vector<16xi1>
          %sub3A_680 = vector.broadcast %mul3A_19 : i32 to vector<16xi32>
          %sub3A_681 = arith.subi %get3A_650, %sub3A_680 : vector<16xi32>
          tpu.vector_store_idx %arg11[%add3A_666], %sub3A_681 masked %and3A_679 : memref<1024xi32, #tpu.memory_space<vmem>>[vector<16xi32>], vector<16xi32>, vector<16xi1>
          %jit3A_682 = arith.constant 16 : i32
          %jit3A_683 = arith.constant 0 : i32
          %broadcast_in_dim3A_684 = vector.broadcast %jit3A_682 : i32 to vector<16xi32>
          %broadcast_in_dim3A_685 = vector.broadcast %jit3A_683 : i32 to vector<16xi32>
          %select_n3A_686 = arith.select %and3A_679, %broadcast_in_dim3A_684, %broadcast_in_dim3A_685 : vector<16xi1>, vector<16xi32>
          %add3A_687 = arith.addi %add3A_666, %select_n3A_686 : vector<16xi32>
          %add3A_688 = arith.constant 336 : i32
          %add3A_689 = arith.addi %mul3A_266, %add3A_688 : i32
          %get3A_690 = arith.index_cast %and3A_239 : i32 to index
          %get3A_691 = arith.index_cast %add3A_689 : i32 to index
          %get3A_692 = tpu.vector_load %arg8[%get3A_690, %get3A_691] {strides = array<i32>} : memref<2x2000xi32, #tpu.memory_space<vmem>>, vector<16xi32>,
          %get3A_693 = arith.index_cast %and3A_239 : i32 to index
          %get3A_694 = arith.index_cast %add3A_689 : i32 to index
          %get3A_695 = tpu.vector_load %arg9[%get3A_693, %get3A_694] {strides = array<i32>} : memref<2x2000xi32, #tpu.memory_space<vmem>>, vector<16xi32>,
          %ge3A_696 = vector.broadcast %mul3A_19 : i32 to vector<16xi32>
          %ge3A_697 = arith.cmpi sge, %get3A_671, %ge3A_696 : vector<16xi32>
          %lt3A_698 = vector.broadcast %add3A_21 : i32 to vector<16xi32>
          %lt3A_699 = arith.cmpi slt, %get3A_671, %lt3A_698 : vector<16xi32>
          %and3A_700 = arith.andi %ge3A_697, %lt3A_699 : vector<16xi1>
          tpu.vector_store_idx %arg10[%add3A_687], %get3A_674 masked %and3A_700 : memref<1024xi32, #tpu.memory_space<vmem>>[vector<16xi32>], vector<16xi32>, vector<16xi1>
          %sub3A_701 = vector.broadcast %mul3A_19 : i32 to vector<16xi32>
          %sub3A_702 = arith.subi %get3A_671, %sub3A_701 : vector<16xi32>
          tpu.vector_store_idx %arg11[%add3A_687], %sub3A_702 masked %and3A_700 : memref<1024xi32, #tpu.memory_space<vmem>>[vector<16xi32>], vector<16xi32>, vector<16xi1>
          %jit3A_703 = arith.constant 16 : i32
          %jit3A_704 = arith.constant 0 : i32
          %broadcast_in_dim3A_705 = vector.broadcast %jit3A_703 : i32 to vector<16xi32>
          %broadcast_in_dim3A_706 = vector.broadcast %jit3A_704 : i32 to vector<16xi32>
          %select_n3A_707 = arith.select %and3A_700, %broadcast_in_dim3A_705, %broadcast_in_dim3A_706 : vector<16xi1>, vector<16xi32>
          %add3A_708 = arith.addi %add3A_687, %select_n3A_707 : vector<16xi32>
          %add3A_709 = arith.constant 352 : i32
          %add3A_710 = arith.addi %mul3A_266, %add3A_709 : i32
          %get3A_711 = arith.index_cast %and3A_239 : i32 to index
          %get3A_712 = arith.index_cast %add3A_710 : i32 to index
          %get3A_713 = tpu.vector_load %arg8[%get3A_711, %get3A_712] {strides = array<i32>} : memref<2x2000xi32, #tpu.memory_space<vmem>>, vector<16xi32>,
          %get3A_714 = arith.index_cast %and3A_239 : i32 to index
          %get3A_715 = arith.index_cast %add3A_710 : i32 to index
          %get3A_716 = tpu.vector_load %arg9[%get3A_714, %get3A_715] {strides = array<i32>} : memref<2x2000xi32, #tpu.memory_space<vmem>>, vector<16xi32>,
          %ge3A_717 = vector.broadcast %mul3A_19 : i32 to vector<16xi32>
          %ge3A_718 = arith.cmpi sge, %get3A_692, %ge3A_717 : vector<16xi32>
          %lt3A_719 = vector.broadcast %add3A_21 : i32 to vector<16xi32>
          %lt3A_720 = arith.cmpi slt, %get3A_692, %lt3A_719 : vector<16xi32>
          %and3A_721 = arith.andi %ge3A_718, %lt3A_720 : vector<16xi1>
          tpu.vector_store_idx %arg10[%add3A_708], %get3A_695 masked %and3A_721 : memref<1024xi32, #tpu.memory_space<vmem>>[vector<16xi32>], vector<16xi32>, vector<16xi1>
          %sub3A_722 = vector.broadcast %mul3A_19 : i32 to vector<16xi32>
          %sub3A_723 = arith.subi %get3A_692, %sub3A_722 : vector<16xi32>
          tpu.vector_store_idx %arg11[%add3A_708], %sub3A_723 masked %and3A_721 : memref<1024xi32, #tpu.memory_space<vmem>>[vector<16xi32>], vector<16xi32>, vector<16xi1>
          %jit3A_724 = arith.constant 16 : i32
          %jit3A_725 = arith.constant 0 : i32
          %broadcast_in_dim3A_726 = vector.broadcast %jit3A_724 : i32 to vector<16xi32>
          %broadcast_in_dim3A_727 = vector.broadcast %jit3A_725 : i32 to vector<16xi32>
          %select_n3A_728 = arith.select %and3A_721, %broadcast_in_dim3A_726, %broadcast_in_dim3A_727 : vector<16xi1>, vector<16xi32>
          %add3A_729 = arith.addi %add3A_708, %select_n3A_728 : vector<16xi32>
          %add3A_730 = arith.constant 368 : i32
          %add3A_731 = arith.addi %mul3A_266, %add3A_730 : i32
          %get3A_732 = arith.index_cast %and3A_239 : i32 to index
          %get3A_733 = arith.index_cast %add3A_731 : i32 to index
          %get3A_734 = tpu.vector_load %arg8[%get3A_732, %get3A_733] {strides = array<i32>} : memref<2x2000xi32, #tpu.memory_space<vmem>>, vector<16xi32>,
          %get3A_735 = arith.index_cast %and3A_239 : i32 to index
          %get3A_736 = arith.index_cast %add3A_731 : i32 to index
          %get3A_737 = tpu.vector_load %arg9[%get3A_735, %get3A_736] {strides = array<i32>} : memref<2x2000xi32, #tpu.memory_space<vmem>>, vector<16xi32>,
          %ge3A_738 = vector.broadcast %mul3A_19 : i32 to vector<16xi32>
          %ge3A_739 = arith.cmpi sge, %get3A_713, %ge3A_738 : vector<16xi32>
          %lt3A_740 = vector.broadcast %add3A_21 : i32 to vector<16xi32>
          %lt3A_741 = arith.cmpi slt, %get3A_713, %lt3A_740 : vector<16xi32>
          %and3A_742 = arith.andi %ge3A_739, %lt3A_741 : vector<16xi1>
          tpu.vector_store_idx %arg10[%add3A_729], %get3A_716 masked %and3A_742 : memref<1024xi32, #tpu.memory_space<vmem>>[vector<16xi32>], vector<16xi32>, vector<16xi1>
          %sub3A_743 = vector.broadcast %mul3A_19 : i32 to vector<16xi32>
          %sub3A_744 = arith.subi %get3A_713, %sub3A_743 : vector<16xi32>
          tpu.vector_store_idx %arg11[%add3A_729], %sub3A_744 masked %and3A_742 : memref<1024xi32, #tpu.memory_space<vmem>>[vector<16xi32>], vector<16xi32>, vector<16xi1>
          %jit3A_745 = arith.constant 16 : i32
          %jit3A_746 = arith.constant 0 : i32
          %broadcast_in_dim3A_747 = vector.broadcast %jit3A_745 : i32 to vector<16xi32>
          %broadcast_in_dim3A_748 = vector.broadcast %jit3A_746 : i32 to vector<16xi32>
          %select_n3A_749 = arith.select %and3A_742, %broadcast_in_dim3A_747, %broadcast_in_dim3A_748 : vector<16xi1>, vector<16xi32>
          %add3A_750 = arith.addi %add3A_729, %select_n3A_749 : vector<16xi32>
          %add3A_751 = arith.constant 384 : i32
          %add3A_752 = arith.addi %mul3A_266, %add3A_751 : i32
          %get3A_753 = arith.index_cast %and3A_239 : i32 to index
          %get3A_754 = arith.index_cast %add3A_752 : i32 to index
          %get3A_755 = tpu.vector_load %arg8[%get3A_753, %get3A_754] {strides = array<i32>} : memref<2x2000xi32, #tpu.memory_space<vmem>>, vector<16xi32>,
          %get3A_756 = arith.index_cast %and3A_239 : i32 to index
          %get3A_757 = arith.index_cast %add3A_752 : i32 to index
          %get3A_758 = tpu.vector_load %arg9[%get3A_756, %get3A_757] {strides = array<i32>} : memref<2x2000xi32, #tpu.memory_space<vmem>>, vector<16xi32>,
          %ge3A_759 = vector.broadcast %mul3A_19 : i32 to vector<16xi32>
          %ge3A_760 = arith.cmpi sge, %get3A_734, %ge3A_759 : vector<16xi32>
          %lt3A_761 = vector.broadcast %add3A_21 : i32 to vector<16xi32>
          %lt3A_762 = arith.cmpi slt, %get3A_734, %lt3A_761 : vector<16xi32>
          %and3A_763 = arith.andi %ge3A_760, %lt3A_762 : vector<16xi1>
          tpu.vector_store_idx %arg10[%add3A_750], %get3A_737 masked %and3A_763 : memref<1024xi32, #tpu.memory_space<vmem>>[vector<16xi32>], vector<16xi32>, vector<16xi1>
          %sub3A_764 = vector.broadcast %mul3A_19 : i32 to vector<16xi32>
          %sub3A_765 = arith.subi %get3A_734, %sub3A_764 : vector<16xi32>
          tpu.vector_store_idx %arg11[%add3A_750], %sub3A_765 masked %and3A_763 : memref<1024xi32, #tpu.memory_space<vmem>>[vector<16xi32>], vector<16xi32>, vector<16xi1>
          %jit3A_766 = arith.constant 16 : i32
          %jit3A_767 = arith.constant 0 : i32
          %broadcast_in_dim3A_768 = vector.broadcast %jit3A_766 : i32 to vector<16xi32>
          %broadcast_in_dim3A_769 = vector.broadcast %jit3A_767 : i32 to vector<16xi32>
          %select_n3A_770 = arith.select %and3A_763, %broadcast_in_dim3A_768, %broadcast_in_dim3A_769 : vector<16xi1>, vector<16xi32>
          %add3A_771 = arith.addi %add3A_750, %select_n3A_770 : vector<16xi32>
          %ge3A_772 = vector.broadcast %mul3A_19 : i32 to vector<16xi32>
          %ge3A_773 = arith.cmpi sge, %get3A_755, %ge3A_772 : vector<16xi32>
          %lt3A_774 = vector.broadcast %add3A_21 : i32 to vector<16xi32>
          %lt3A_775 = arith.cmpi slt, %get3A_755, %lt3A_774 : vector<16xi32>
          %and3A_776 = arith.andi %ge3A_773, %lt3A_775 : vector<16xi1>
          tpu.vector_store_idx %arg10[%add3A_771], %get3A_758 masked %and3A_776 : memref<1024xi32, #tpu.memory_space<vmem>>[vector<16xi32>], vector<16xi32>, vector<16xi1>
          %sub3A_777 = vector.broadcast %mul3A_19 : i32 to vector<16xi32>
          %sub3A_778 = arith.subi %get3A_755, %sub3A_777 : vector<16xi32>
          tpu.vector_store_idx %arg11[%add3A_771], %sub3A_778 masked %and3A_776 : memref<1024xi32, #tpu.memory_space<vmem>>[vector<16xi32>], vector<16xi32>, vector<16xi1>
          %jit3A_779 = arith.constant 16 : i32
          %jit3A_780 = arith.constant 0 : i32
          %broadcast_in_dim3A_781 = vector.broadcast %jit3A_779 : i32 to vector<16xi32>
          %broadcast_in_dim3A_782 = vector.broadcast %jit3A_780 : i32 to vector<16xi32>
          %select_n3A_783 = arith.select %and3A_776, %broadcast_in_dim3A_781, %broadcast_in_dim3A_782 : vector<16xi1>, vector<16xi32>
          %add3A_784 = arith.addi %add3A_771, %select_n3A_783 : vector<16xi32>
          %reduce_max3A = arith.constant true
          %reduce_max3A_785 = vector.broadcast %reduce_max3A : i1 to vector<16xi1>
          %reduce_max3A_786 = arith.constant -2147483648 : i32
          %reduce_max3A_787 = vector.broadcast %reduce_max3A_786 : i32 to vector<16xi32>
          %reduce_max3A_788 = arith.xori %add3A_784, %reduce_max3A_787 : vector<16xi32>
          %reduce_max3A_789 = tpu.scan <max>, %reduce_max3A_788 masked %reduce_max3A_785 : vector<16xi32>, vector<16xi1> -> vector<16xi32>
          %reduce_max3A_790 = arith.xori %reduce_max3A_789, %reduce_max3A_787 : vector<16xi32>
          %reduce_max3A_791 = vector.extract %reduce_max3A_790[15] : i32 from vector<16xi32>
          %ge3A_792 = arith.constant 624 : i32
          %ge3A_793 = arith.cmpi sge, %reduce_max3A_791, %ge3A_792 : i32
          %convert_element_type3A_794 = arith.extui %ge3A_793 : i1 to i32
          %cond3A_795 = arith.constant 0 : i32
          %cond3A_796 = arith.cmpi ne, %convert_element_type3A_794, %cond3A_795 : i32
          %cond3A_797:2 = scf.if %cond3A_796 -> (vector<16xi32>, i32) {
            %eq3A_798 = arith.constant 1 : i32
            %eq3A_799 = arith.cmpi eq, %scan3A_264, %eq3A_798 : i32
            %convert_element_type3A_800 = arith.extui %eq3A_799 : i1 to i32
            %cond3A_801 = arith.constant 0 : i32
            %cond3A_802 = arith.cmpi ne, %convert_element_type3A_800, %cond3A_801 : i32
            scf.if %cond3A_802 {
              %dma_wait3A_813 = arith.constant 0 : i32
              %dma_wait3A_814 = arith.constant 0 : i32
              %dma_wait3A_815 = tpu.memref_slice %arg2[%dma_wait3A_813, %dma_wait3A_814] : memref<3200000x16xf32, #tpu.memory_space<hbm>> -> memref<3200000x16xf32, #tpu.memory_space<hbm>>
              tpu.wait_indirect_dma semaphore(%arg17 : memref<!tpu.dma_semaphore, #tpu.memory_space<semaphore_mem>>) src(%dma_wait3A_815 : memref<3200000x16xf32, #tpu.memory_space<hbm>>) dst(%arg14 : memref<1024x16xf32, #tpu.memory_space<vmem>>)
              "tpu.region"() ({
                %run_scoped3A = tpu.sem_alloc : memref<!tpu.dma_semaphore, #tpu.memory_space<semaphore_mem>>
                %dma_start3A_816 = arith.constant 0 : i32
                %dma_start3A_817 = arith.constant 0 : i32
                %dma_start3A_818 = tpu.memref_slice %arg6[%dma_start3A_816, %dma_start3A_817] : memref<90624x16xf32, #tpu.memory_space<vmem_shared>> -> memref<90624x16xf32, #tpu.memory_space<vmem_shared>>
                tpu.enqueue_indirect_dma source(%arg14 : memref<1024x16xf32, #tpu.memory_space<vmem>>) target(%dma_start3A_818 : memref<90624x16xf32, #tpu.memory_space<vmem_shared>>) offsets(%arg13 : memref<1024xi32, #tpu.memory_space<vmem>>) semaphore(%run_scoped3A : memref<!tpu.dma_semaphore, #tpu.memory_space<semaphore_mem>>) {add = true}
                %dma_wait3A_819 = arith.constant 0 : i32
                %dma_wait3A_820 = arith.constant 0 : i32
                %dma_wait3A_821 = tpu.memref_slice %arg6[%dma_wait3A_819, %dma_wait3A_820] : memref<90624x16xf32, #tpu.memory_space<vmem_shared>> -> memref<90624x16xf32, #tpu.memory_space<vmem_shared>>
                tpu.wait_indirect_dma semaphore(%run_scoped3A : memref<!tpu.dma_semaphore, #tpu.memory_space<semaphore_mem>>) src(%arg14 : memref<1024x16xf32, #tpu.memory_space<vmem>>) dst(%dma_wait3A_821 : memref<90624x16xf32, #tpu.memory_space<vmem_shared>>)
                tpu.yield
              }) : () -> ()
            } else {
            }
            %scan3A_803 = arith.constant 0 : i32
            %scan3A_804 = arith.constant 0 : i32
            %scan3A_805 = arith.constant 64 : i32
            %scan3A_806 = arith.addi %scan3A_804, %scan3A_805 : i32
            %scan3A_807 = arith.constant 1 : i32
            scf.for %scan3A_813 = %scan3A_804 to %scan3A_806 step %scan3A_807  : i32 {
              %mul3A_814 = arith.constant 16 : i32
              %mul3A_815 = arith.muli %scan3A_813, %mul3A_814 : i32
              %get3A_816 = arith.index_cast %mul3A_815 : i32 to index
              %get3A_817 = tpu.vector_load %arg10[%get3A_816] {strides = array<i32>} : memref<1024xi32, #tpu.memory_space<vmem>>, vector<16xi32>,
              %swap3A = arith.index_cast %mul3A_815 : i32 to index
              %swap3A_818 = tpu.vector_load %arg12[%swap3A] {strides = array<i32>} : memref<1024xi32, #tpu.memory_space<vmem>>, vector<16xi32>,
              tpu.vector_store %arg12[%swap3A], %get3A_817 {strides = array<i32>} : memref<1024xi32, #tpu.memory_space<vmem>>, vector<16xi32>,
              %get3A_819 = arith.index_cast %mul3A_815 : i32 to index
              %get3A_820 = tpu.vector_load %arg11[%get3A_819] {strides = array<i32>} : memref<1024xi32, #tpu.memory_space<vmem>>, vector<16xi32>,
              %swap3A_821 = arith.index_cast %mul3A_815 : i32 to index
              %swap3A_822 = tpu.vector_load %arg13[%swap3A_821] {strides = array<i32>} : memref<1024xi32, #tpu.memory_space<vmem>>, vector<16xi32>,
              tpu.vector_store %arg13[%swap3A_821], %get3A_820 {strides = array<i32>} : memref<1024xi32, #tpu.memory_space<vmem>>, vector<16xi32>,
              %add3A_823 = vector.broadcast %mul3A_815 : i32 to vector<16xi32>
              %add3A_824 = arith.addi %add3A_7, %add3A_823 : vector<16xi32>
              %swap3A_825 = arith.index_cast %mul3A_815 : i32 to index
              %swap3A_826 = tpu.vector_load %arg10[%swap3A_825] {strides = array<i32>} : memref<1024xi32, #tpu.memory_space<vmem>>, vector<16xi32>,
              tpu.vector_store %arg10[%swap3A_825], %add3A_824 {strides = array<i32>} : memref<1024xi32, #tpu.memory_space<vmem>>, vector<16xi32>,
              %add3A_827 = arith.constant 89600 : i32
              %add3A_828 = arith.addi %add3A_827, %mul3A_815 : i32
              %add3A_829 = vector.broadcast %add3A_828 : i32 to vector<16xi32>
              %add3A_830 = arith.addi %add3A_829, %iota3A : vector<16xi32>
              %swap3A_831 = arith.index_cast %mul3A_815 : i32 to index
              %swap3A_832 = tpu.vector_load %arg11[%swap3A_831] {strides = array<i32>} : memref<1024xi32, #tpu.memory_space<vmem>>, vector<16xi32>,
              tpu.vector_store %arg11[%swap3A_831], %add3A_830 {strides = array<i32>} : memref<1024xi32, #tpu.memory_space<vmem>>, vector<16xi32>,
            }
            %scan3A_808 = arith.constant 64 : i32
            %dma_start3A_809 = arith.constant 0 : i32
            %dma_start3A_810 = arith.constant 0 : i32
            %dma_start3A_811 = tpu.memref_slice %arg2[%dma_start3A_809, %dma_start3A_810] : memref<3200000x16xf32, #tpu.memory_space<hbm>> -> memref<3200000x16xf32, #tpu.memory_space<hbm>>
            tpu.enqueue_indirect_dma source(%dma_start3A_811 : memref<3200000x16xf32, #tpu.memory_space<hbm>>) target(%arg14 : memref<1024x16xf32, #tpu.memory_space<vmem>>) offsets(%arg12 : memref<1024xi32, #tpu.memory_space<vmem>>) semaphore(%arg17 : memref<!tpu.dma_semaphore, #tpu.memory_space<semaphore_mem>>)
            %cond3A_812 = arith.constant 1 : i32
            scf.yield %iota3A, %cond3A_812 : vector<16xi32>, i32
          } else {
            scf.yield %add3A_784, %scan3A_264 : vector<16xi32>, i32
          }
          scf.yield %cond3A_797#0, %cond3A_797#1 : vector<16xi32>, i32
        }
        %scan3A_261 = arith.constant 5 : i32
        scf.yield %scan3A_260#0, %scan3A_260#1 : vector<16xi32>, i32
      }
      %scan3A_214 = arith.constant 100 : i32
      %eq3A = arith.constant 1 : i32
      %eq3A_215 = arith.cmpi eq, %scan3A_213#1, %eq3A : i32
      %convert_element_type3A = arith.extui %eq3A_215 : i1 to i32
      %cond3A_216 = arith.constant 0 : i32
      %cond3A_217 = arith.cmpi ne, %convert_element_type3A, %cond3A_216 : i32
      scf.if %cond3A_217 {
        %dma_wait3A_236 = arith.constant 0 : i32
        %dma_wait3A_237 = arith.constant 0 : i32
        %dma_wait3A_238 = tpu.memref_slice %arg2[%dma_wait3A_236, %dma_wait3A_237] : memref<3200000x16xf32, #tpu.memory_space<hbm>> -> memref<3200000x16xf32, #tpu.memory_space<hbm>>
        tpu.wait_indirect_dma semaphore(%arg17 : memref<!tpu.dma_semaphore, #tpu.memory_space<semaphore_mem>>) src(%dma_wait3A_238 : memref<3200000x16xf32, #tpu.memory_space<hbm>>) dst(%arg14 : memref<1024x16xf32, #tpu.memory_space<vmem>>)
        "tpu.region"() ({
          %run_scoped3A = tpu.sem_alloc : memref<!tpu.dma_semaphore, #tpu.memory_space<semaphore_mem>>
          %dma_start3A_239 = arith.constant 0 : i32
          %dma_start3A_240 = arith.constant 0 : i32
          %dma_start3A_241 = tpu.memref_slice %arg6[%dma_start3A_239, %dma_start3A_240] : memref<90624x16xf32, #tpu.memory_space<vmem_shared>> -> memref<90624x16xf32, #tpu.memory_space<vmem_shared>>
          tpu.enqueue_indirect_dma source(%arg14 : memref<1024x16xf32, #tpu.memory_space<vmem>>) target(%dma_start3A_241 : memref<90624x16xf32, #tpu.memory_space<vmem_shared>>) offsets(%arg13 : memref<1024xi32, #tpu.memory_space<vmem>>) semaphore(%run_scoped3A : memref<!tpu.dma_semaphore, #tpu.memory_space<semaphore_mem>>) {add = true}
          %dma_wait3A_242 = arith.constant 0 : i32
          %dma_wait3A_243 = arith.constant 0 : i32
          %dma_wait3A_244 = tpu.memref_slice %arg6[%dma_wait3A_242, %dma_wait3A_243] : memref<90624x16xf32, #tpu.memory_space<vmem_shared>> -> memref<90624x16xf32, #tpu.memory_space<vmem_shared>>
          tpu.wait_indirect_dma semaphore(%run_scoped3A : memref<!tpu.dma_semaphore, #tpu.memory_space<semaphore_mem>>) src(%arg14 : memref<1024x16xf32, #tpu.memory_space<vmem>>) dst(%dma_wait3A_244 : memref<90624x16xf32, #tpu.memory_space<vmem_shared>>)
          tpu.yield
        }) : () -> ()
      } else {
      }
      %scan3A_218 = arith.constant 0 : i32
      %scan3A_219 = arith.constant 0 : i32
      %scan3A_220 = arith.constant 64 : i32
      %scan3A_221 = arith.addi %scan3A_219, %scan3A_220 : i32
      %scan3A_222 = arith.constant 1 : i32
      scf.for %scan3A_236 = %scan3A_219 to %scan3A_221 step %scan3A_222  : i32 {
        %mul3A_237 = arith.constant 16 : i32
        %mul3A_238 = arith.muli %scan3A_236, %mul3A_237 : i32
        %get3A = arith.index_cast %mul3A_238 : i32 to index
        %get3A_239 = tpu.vector_load %arg10[%get3A] {strides = array<i32>} : memref<1024xi32, #tpu.memory_space<vmem>>, vector<16xi32>,
        %swap3A = arith.index_cast %mul3A_238 : i32 to index
        %swap3A_240 = tpu.vector_load %arg12[%swap3A] {strides = array<i32>} : memref<1024xi32, #tpu.memory_space<vmem>>, vector<16xi32>,
        tpu.vector_store %arg12[%swap3A], %get3A_239 {strides = array<i32>} : memref<1024xi32, #tpu.memory_space<vmem>>, vector<16xi32>,
        %get3A_241 = arith.index_cast %mul3A_238 : i32 to index
        %get3A_242 = tpu.vector_load %arg11[%get3A_241] {strides = array<i32>} : memref<1024xi32, #tpu.memory_space<vmem>>, vector<16xi32>,
        %swap3A_243 = arith.index_cast %mul3A_238 : i32 to index
        %swap3A_244 = tpu.vector_load %arg13[%swap3A_243] {strides = array<i32>} : memref<1024xi32, #tpu.memory_space<vmem>>, vector<16xi32>,
        tpu.vector_store %arg13[%swap3A_243], %get3A_242 {strides = array<i32>} : memref<1024xi32, #tpu.memory_space<vmem>>, vector<16xi32>,
        %add3A_245 = vector.broadcast %mul3A_238 : i32 to vector<16xi32>
        %add3A_246 = arith.addi %add3A_7, %add3A_245 : vector<16xi32>
        %swap3A_247 = arith.index_cast %mul3A_238 : i32 to index
        %swap3A_248 = tpu.vector_load %arg10[%swap3A_247] {strides = array<i32>} : memref<1024xi32, #tpu.memory_space<vmem>>, vector<16xi32>,
        tpu.vector_store %arg10[%swap3A_247], %add3A_246 {strides = array<i32>} : memref<1024xi32, #tpu.memory_space<vmem>>, vector<16xi32>,
        %add3A_249 = arith.constant 89600 : i32
        %add3A_250 = arith.addi %add3A_249, %mul3A_238 : i32
        %add3A_251 = vector.broadcast %add3A_250 : i32 to vector<16xi32>
        %add3A_252 = arith.addi %add3A_251, %iota3A : vector<16xi32>
        %swap3A_253 = arith.index_cast %mul3A_238 : i32 to index
        %swap3A_254 = tpu.vector_load %arg11[%swap3A_253] {strides = array<i32>} : memref<1024xi32, #tpu.memory_space<vmem>>, vector<16xi32>,
        tpu.vector_store %arg11[%swap3A_253], %add3A_252 {strides = array<i32>} : memref<1024xi32, #tpu.memory_space<vmem>>, vector<16xi32>,
      }
      %scan3A_223 = arith.constant 64 : i32
      %dma_start3A_224 = arith.constant 0 : i32
      %dma_start3A_225 = arith.constant 0 : i32
      %dma_start3A_226 = tpu.memref_slice %arg2[%dma_start3A_224, %dma_start3A_225] : memref<3200000x16xf32, #tpu.memory_space<hbm>> -> memref<3200000x16xf32, #tpu.memory_space<hbm>>
      tpu.enqueue_indirect_dma source(%dma_start3A_226 : memref<3200000x16xf32, #tpu.memory_space<hbm>>) target(%arg14 : memref<1024x16xf32, #tpu.memory_space<vmem>>) offsets(%arg12 : memref<1024xi32, #tpu.memory_space<vmem>>) semaphore(%arg17 : memref<!tpu.dma_semaphore, #tpu.memory_space<semaphore_mem>>)
      %dma_wait3A_227 = arith.constant 0 : i32
      %dma_wait3A_228 = arith.constant 0 : i32
      %dma_wait3A_229 = tpu.memref_slice %arg2[%dma_wait3A_227, %dma_wait3A_228] : memref<3200000x16xf32, #tpu.memory_space<hbm>> -> memref<3200000x16xf32, #tpu.memory_space<hbm>>
      tpu.wait_indirect_dma semaphore(%arg17 : memref<!tpu.dma_semaphore, #tpu.memory_space<semaphore_mem>>) src(%dma_wait3A_229 : memref<3200000x16xf32, #tpu.memory_space<hbm>>) dst(%arg14 : memref<1024x16xf32, #tpu.memory_space<vmem>>)
      "tpu.region"() ({
        %run_scoped3A = tpu.sem_alloc : memref<!tpu.dma_semaphore, #tpu.memory_space<semaphore_mem>>
        %dma_start3A_236 = arith.constant 0 : i32
        %dma_start3A_237 = arith.constant 0 : i32
        %dma_start3A_238 = tpu.memref_slice %arg6[%dma_start3A_236, %dma_start3A_237] : memref<90624x16xf32, #tpu.memory_space<vmem_shared>> -> memref<90624x16xf32, #tpu.memory_space<vmem_shared>>
        tpu.enqueue_indirect_dma source(%arg14 : memref<1024x16xf32, #tpu.memory_space<vmem>>) target(%dma_start3A_238 : memref<90624x16xf32, #tpu.memory_space<vmem_shared>>) offsets(%arg13 : memref<1024xi32, #tpu.memory_space<vmem>>) semaphore(%run_scoped3A : memref<!tpu.dma_semaphore, #tpu.memory_space<semaphore_mem>>) {add = true}
        %dma_wait3A_239 = arith.constant 0 : i32
        %dma_wait3A_240 = arith.constant 0 : i32
        %dma_wait3A_241 = tpu.memref_slice %arg6[%dma_wait3A_239, %dma_wait3A_240] : memref<90624x16xf32, #tpu.memory_space<vmem_shared>> -> memref<90624x16xf32, #tpu.memory_space<vmem_shared>>
        tpu.wait_indirect_dma semaphore(%run_scoped3A : memref<!tpu.dma_semaphore, #tpu.memory_space<semaphore_mem>>) src(%arg14 : memref<1024x16xf32, #tpu.memory_space<vmem>>) dst(%dma_wait3A_241 : memref<90624x16xf32, #tpu.memory_space<vmem_shared>>)
        tpu.yield
      }) : () -> ()
      %barrier3A_230 = arith.constant 0 : index
      tpu.barrier barrier_id(%barrier3A_230)
      %mul3A_231 = arith.constant 5600 : i32
      %mul3A_232 = arith.muli %arg1, %mul3A_231 : i32
      %mul3A_233 = arith.constant 5600 : i32
      %mul3A_234 = arith.muli %arg1, %mul3A_233 : i32
      %add3A_235 = arith.addi %mul3A_19, %mul3A_234 : i32
      "tpu.region"() ({
        %run_scoped3A = tpu.sem_alloc : memref<!tpu.dma_semaphore, #tpu.memory_space<semaphore_mem>>
        %dma_start3A_236 = arith.constant 0 : i32
        %dma_start3A_237 = tpu.memref_slice %arg5[%add3A_235, %dma_start3A_236] : memref<3225600x16xf32, #tpu.memory_space<hbm>> -> memref<5600x16xf32, #tpu.memory_space<hbm>>
        %dma_start3A_238 = arith.constant 0 : i32
        %dma_start3A_239 = tpu.memref_slice %arg6[%mul3A_232, %dma_start3A_238] : memref<90624x16xf32, #tpu.memory_space<vmem_shared>> -> memref<5600x16xf32, #tpu.memory_space<vmem_shared>>
        tpu.enqueue_dma source(%dma_start3A_239 : memref<5600x16xf32, #tpu.memory_space<vmem_shared>>) target(%dma_start3A_237 : memref<5600x16xf32, #tpu.memory_space<hbm>>) target_semaphore(%run_scoped3A : memref<!tpu.dma_semaphore, #tpu.memory_space<semaphore_mem>>)
        %dma_wait3A_240 = arith.constant 0 : i32
        %dma_wait3A_241 = tpu.memref_slice %arg5[%add3A_235, %dma_wait3A_240] : memref<3225600x16xf32, #tpu.memory_space<hbm>> -> memref<5600x16xf32, #tpu.memory_space<hbm>>
        %dma_wait3A_242 = arith.constant 0 : i32
        %dma_wait3A_243 = tpu.memref_slice %arg6[%mul3A_232, %dma_wait3A_242] : memref<90624x16xf32, #tpu.memory_space<vmem_shared>> -> memref<5600x16xf32, #tpu.memory_space<vmem_shared>>
        tpu.wait_dma2 semaphore(%run_scoped3A : memref<!tpu.dma_semaphore, #tpu.memory_space<semaphore_mem>>) src(%dma_wait3A_243 : memref<5600x16xf32, #tpu.memory_space<vmem_shared>>) dst(%dma_wait3A_241 : memref<5600x16xf32, #tpu.memory_space<hbm>>)
        tpu.yield
      }) : () -> ()
    }
    %scan3A_13 = arith.constant 18 : i32
    return
  }
}

module attributes {stable_mosaic.version = 14 : i64} {
  func.func @_matmul_block(%arg0: i32, %arg1: memref<409600xf32, #tpu.memory_space<vmem>>, %arg2: memref<128x512xf32, #tpu.memory_space<vmem>>, %arg3: memref<1x512xf32, #tpu.memory_space<vmem>>, %arg4: memref<3200x512xf32, #tpu.memory_space<vmem>>) attributes {dimension_semantics = [#tpu.dimension_semantics<arbitrary>], iteration_bounds = array<i64: 125>, scalar_prefetch = 0 : i64, scratch_operands = 0 : i64, tpu.core_type = #tpu.core_type<tc>, window_params = [{transform_indices = @transform_0, window_bounds = array<i64: 409600>}, {pipeline_mode = #tpu.pipeline_mode<synchronous>, transform_indices = @transform_1, window_bounds = array<i64: 128, 512>}, {pipeline_mode = #tpu.pipeline_mode<synchronous>, transform_indices = @transform_2, window_bounds = array<i64: 1, 512>}, {transform_indices = @transform_3, window_bounds = array<i64: 3200, 512>}]} {
    %get3A = arith.constant 0 : index
    %get3A_0 = vector.load %arg1[%get3A] : memref<409600xf32, #tpu.memory_space<vmem>>, vector<409600xf32>
    %reshape3A = vector.shape_cast %get3A_0 : vector<409600xf32> to vector<3200x128xf32>
    %get3A_1 = arith.constant 0 : index
    %get3A_2 = arith.constant 0 : index
    %get3A_3 = vector.load %arg2[%get3A_1, %get3A_2] : memref<128x512xf32, #tpu.memory_space<vmem>>, vector<128x512xf32>
    %dot_general3A = arith.constant dense<0.000000e+00> : vector<3200x512xf32>
    %dot_general3A_4 = tpu.matmul %reshape3A, %get3A_3, %dot_general3A {dimension_numbers = #tpu.dot_dimension_numbers<[1], [0], [0], [1], [0, 0, 1, 1], [], []>, transpose_lhs_hint = false} : vector<3200x128xf32>, vector<128x512xf32>, vector<3200x512xf32> -> vector<3200x512xf32>
    %get3A_5 = arith.constant 0 : index
    %get3A_6 = arith.constant 0 : index
    %get3A_7 = vector.load %arg3[%get3A_5, %get3A_6] : memref<1x512xf32, #tpu.memory_space<vmem>>, vector<1x512xf32>
    %add3A = vector.broadcast %get3A_7 : vector<1x512xf32> to vector<3200x512xf32>
    %add3A_8 = arith.addf %dot_general3A_4, %add3A : vector<3200x512xf32>
    %swap3A = arith.constant 0 : index
    %swap3A_9 = arith.constant 0 : index
    %swap3A_10 = vector.load %arg4[%swap3A, %swap3A_9] : memref<3200x512xf32, #tpu.memory_space<vmem>>, vector<3200x512xf32>
    tpu.vector_store %arg4[%swap3A, %swap3A_9], %add3A_8 {strides = array<i32>} : memref<3200x512xf32, #tpu.memory_space<vmem>>, vector<3200x512xf32>,
    return
  }
  func.func @transform_0(%arg0: i32) -> i32 {
    %c0_i32 = arith.constant 0 : i32
    return %arg0 : i32
  }
  func.func @transform_1(%arg0: i32) -> (i32, i32) {
    %c0_i32 = arith.constant 0 : i32
    %c0_i32_0 = arith.constant 0 : i32
    %c0_i32_1 = arith.constant 0 : i32
    return %c0_i32, %c0_i32_0 : i32, i32
  }
  func.func @transform_2(%arg0: i32) -> (i32, i32) {
    %c0_i32 = arith.constant 0 : i32
    %c0_i32_0 = arith.constant 0 : i32
    %c0_i32_1 = arith.constant 0 : i32
    return %c0_i32, %c0_i32_0 : i32, i32
  }
  func.func @transform_3(%arg0: i32) -> (i32, i32) {
    %c0_i32 = arith.constant 0 : i32
    %c0_i32_0 = arith.constant 0 : i32
    return %arg0, %c0_i32 : i32, i32
  }
}

</mosaic_0001>

<sc_bundles>
// kernel: kernel.5.cloned.1.call-start
scs
__scs_entry_jumppad:
0x0: {  	(pc) =	sbr.rel $0x88, $3  }
0x1: {  	(tag) =	ssettag $0x0;
	lr =	simm.s32 $0x1  }
0x2: {  	[smem:$0x3F9D] =	sst lr;
	_ =	strace $0xD0000000  }
0x3: {  	_ = 	snop  }
0x4: {  	_ = 	snop  }
0x5: {  	_ = 	snop  }
0x6: {  	_ = 	snop  }
0x7: {  	_ = 	snop  }
__scs_overlays_trampoline_lowered:
0x8: {  	[smem:$0x3FAC] =	sst s0  }
0x9: {  	[smem:$0x3FAD] =	sst s1  }
0xa: {  	[smem:$0x3FAE] =	sst s2  }
0xb: {  	[smem:$0x3FAF] =	sst s3  }
0xc: {  	[smem:$0x3FB0] =	sst s4  }
0xd: {  	[smem:$0x3FB1] =	sst s5  }
0xe: {  	[smem:$0x3FB2] =	sst s6  }
0xf: {  	[smem:$0x3FB3] =	sst s7  }
0x10: {  	[smem:$0x3FB4] =	sst s8  }
0x11: {  	[smem:$0x3FB5] =	sst s9;
	s0 =	simm.s32 @!p0 $0x0  }
0x12: {  	s1 =	sld [smem:$0x3F9B];
	s0 =	simm.s32 @p0 $0x1  }
0x13: {  	[smem:$0x3FB6] =	sst s0;
	s0 =	simm.s32 @!p1 $0x0  }
0x14: {  	s2 =	sld [smem:$0x3F9A];
	s0 =	simm.s32 @p1 $0x1  }
0x15: {  	[smem:$0x3FB7] =	sst s0;
	s0 =	simm.s32 @!p2 $0x0  }
0x16: {  	s3 =	sld [smem:$0x3FDB];
	s0 =	simm.s32 @p2 $0x1  }
0x17: {  	s4 =	simm.s32 $0x1BF5;
	[smem:$0x3FB9] =	sst s0  }
0x18: {  	s0 =	sld [smem:$0x3F9C];
	_ =	swait.ge [sflag:s4], $0x0  }
0x19: {  	s7 =	sld [smem:$0x3F9D]  }
0x1a: {  	s8 =	sadd.s32 $0xFFFFE003, lr  }
0x1b: {  	s9 =	sadd.s32 $0xFFFFFEF7, lr;
	s5 =	simm.s32 $0xFFFFFFFF;
	p2 =	slt.u32 s8, $0xFFFFF086  }
0x1c: {  	p1 =	slt.u32 s9, $0xF7A;
	s5 =	simm.s32 @!p2 $0x0  }
0x1d: {  	s5 =	simm.s32 @p1 $0x1;
	p0 =	seq.s32 s7, s2  }
0x1e: {  	s7 =	smul.u32 @!p0 $0xF7A, s2;
	p2 =	seq.s32 @!p0 s5, $0x0  }
0x1f: {  	s9 =	smul.u32 $0xF7A, s1;
	s8 =	simm.s32 @!p0 $0x1BF5;
	p2 =	por !p2, p0  }
0x20: {  	[sflag:s8] =	ssyncset.s32 @!p0 $0xFFFFF086;
	s6 =	sadd.s32 @!p0 s3, s7;
	s7 =	simm.s32 @!p0 $0x108  }
0x21: {  	s3 =	sadd.s32 s3, s9;
	s6 =	sadd.s32 @!p0 $0x88, s6;
	s7 =	simm.s32 @p2 $0x1082  }
0x22: {  	[simem:s7], [sflag:s8] =	dma.local @!p0 [hbm:s6], $0xF7A  }
0x23: {  	s9 =	sor.u32 $0xD0000000, s2;
	s6 =	simm.s32 $0x108;
	_ =	swait.ge @!p0 [sflag:s8], $0x0  }
0x24: {  	s3 =	sadd.s32 $0x88, s3;
	s6 =	simm.s32 @!p1 $0x1082;
	[sflag:s4] =	ssyncset.s32 $0xFFFFF086  }
0x25: {  	[simem:s6], [sflag:s4] =	dma.local [hbm:s3], $0xF7A  }
0x26: {  	[smem:$0x3F9D] =	sst s1;
	(tag) =	ssettag s2;
	_ =	strace s9  }
0x27: {  	s1 =	sld [smem:$0x3FAD]  }
0x28: {  	s2 =	sld [smem:$0x3FAE]  }
0x29: {  	s4 =	sld [smem:$0x3FB0]  }
0x2a: {  	p0 =	seq.s32 s5, $0x0;
	s5 =	sld [smem:$0x3FB1]  }
0x2b: {  	s6 =	sld [smem:$0x3FB2]  }
0x2c: {  	s7 =	sld [smem:$0x3FB3]  }
0x2d: {  	s3 =	simm.s32 $0x108;
	s8 =	sld [smem:$0x3FB4]  }
0x2e: {  	s3 =	simm.s32 @!p0 $0x1082;
	s9 =	sld [smem:$0x3FB5]  }
0x2f: {  	lr =	sadd.s32 s0, s3;
	s0 =	sld [smem:$0x3FAC]  }
0x30: {  	s3 =	sld [smem:$0x3FAF]  }
0x31: {  	[smem:$0x3FB8] =	sst s10  }
0x32: {  	s10 =	sld [smem:$0x3FB6];
	_ =	sdelay $0x3  }
0x33: {  	p0 =	seq.s32 s10, $0x1;
	s10 =	sld [smem:$0x3FB8];
	_ =	sdelay $0x3  }
0x34: {  	[smem:$0x3FB8] =	sst s10  }
0x35: {  	s10 =	sld [smem:$0x3FB7];
	_ =	sdelay $0x3  }
0x36: {  	p1 =	seq.s32 s10, $0x1;
	s10 =	sld [smem:$0x3FB8];
	_ =	sdelay $0x3  }
0x37: {  	[smem:$0x3FB8] =	sst s10  }
0x38: {  	s10 =	sld [smem:$0x3FB9]  }
0x39: {  	_ = 	snop;
	(pc) =	sbr.ind lr, $3  }
0x3a: {  	_ = 	snop  }
0x3b: {  	_ = 	snop  }
0x3c: {  	p2 =	seq.s32 s10, $0x1;
	s10 =	sld [smem:$0x3FB8]  }
0x3d: {  	_ =	shalt  }
0x3e: {  	_ =	shalt  }
0x3f: {  	_ =	shalt  }
0x40: {  	_ =	shalt  }
0x41: {  	_ =	shalt  }
0x42: {  	_ =	shalt  }
0x43: {  	_ =	shalt  }
0x44: {  	_ =	shalt  }
0x45: {  	_ =	shalt  }
0x46: {  	_ =	shalt  }
0x47: {  	_ =	shalt  }
0x48: {  	_ =	shalt  }
0x49: {  	_ =	shalt  }
0x4a: {  	_ =	shalt  }
0x4b: {  	_ =	shalt  }
0x4c: {  	_ =	shalt  }
0x4d: {  	_ =	shalt  }
0x4e: {  	_ =	shalt  }
0x4f: {  	_ =	shalt  }
0x50: {  	_ =	shalt  }
0x51: {  	_ =	shalt  }
0x52: {  	_ =	shalt  }
0x53: {  	_ =	shalt  }
0x54: {  	_ =	shalt  }
0x55: {  	_ =	shalt  }
0x56: {  	_ =	shalt  }
0x57: {  	_ =	shalt  }
0x58: {  	_ =	shalt  }
0x59: {  	_ =	shalt  }
0x5a: {  	_ =	shalt  }
0x5b: {  	_ =	shalt  }
0x5c: {  	_ =	shalt  }
0x5d: {  	_ =	shalt  }
0x5e: {  	_ =	shalt  }
0x5f: {  	_ =	shalt  }
0x60: {  	_ =	shalt  }
0x61: {  	_ =	shalt  }
0x62: {  	_ =	shalt  }
0x63: {  	_ =	shalt  }
0x64: {  	_ =	shalt  }
0x65: {  	_ =	shalt  }
0x66: {  	_ =	shalt  }
0x67: {  	_ =	shalt  }
0x68: {  	_ =	shalt  }
0x69: {  	_ =	shalt  }
0x6a: {  	_ =	shalt  }
0x6b: {  	_ =	shalt  }
0x6c: {  	_ =	shalt  }
0x6d: {  	_ =	shalt  }
0x6e: {  	_ =	shalt  }
0x6f: {  	_ =	shalt  }
0x70: {  	_ =	shalt  }
0x71: {  	_ =	shalt  }
0x72: {  	_ =	shalt  }
0x73: {  	_ =	shalt  }
0x74: {  	_ =	shalt  }
0x75: {  	_ =	shalt  }
0x76: {  	_ =	shalt  }
0x77: {  	_ =	shalt  }
0x78: {  	_ =	shalt  }
0x79: {  	_ =	shalt  }
0x7a: {  	_ =	shalt  }
0x7b: {  	_ =	shalt  }
0x7c: {  	_ =	shalt  }
0x7d: {  	_ =	shalt  }
0x7e: {  	_ =	shalt  }
0x7f: {  	_ =	shalt  }
0x80: {  	_ =	shalt  }
0x81: {  	_ =	shalt  }
0x82: {  	_ =	shalt  }
0x83: {  	_ =	shalt  }
0x84: {  	_ =	shalt  }
0x85: {  	_ =	shalt  }
0x86: {  	_ =	shalt  }
0x87: {  	_ =	shalt  }
.Lfunc_end0:
.L_simem_size_0:
called_computation.1_lowered:
.L_overlay_start_0:
0x88: {  	s2 =	sld [smem:$0x3FD9]  }
0x89: {  	s3 =	sld [smem:$0x3FFE];
	_ =	sdelay $0x1  }
0x8a: {  	s1 =	srdreg.scid  }
0x8b: {  	s0 =	sand.u32 $0x1, s1  }
0x8c: {  	s17 =	sshll.u32 s0, $0xA;
	s2 =	sadd.s32 s3, s2  }
0x8d: {  	s2 =	sadd.s32 s2, s17  }
0x8e: {  	[smem:$0x3FC4] =	sst s2  }
0x8f: {  	_ = 	snop  }
0x90: {  	s2 =	sld [smem:$0x3FD0];
	(tm) =	ssettm $0x1  }
0x91: {  	s18 =	sld [smem:$0x3FFB];
	_ =	sdelay $0x3  }
0x92: {  	_ =	strace s18  }
0x93: {  	s3 =	sld [smem:$0x3FFC];
	_ =	sdelay $0x3  }
0x94: {  	_ =	strace s3  }
0x95: {  	s3 =	sld [smem:$0x3FFD];
	_ =	sdelay $0x3  }
0x96: {  	_ =	strace s3  }
0x97: {  	_ =	strace $0x8FFFFFFF  }
0x98: {  	s19 =	sld [smem:$0x3FDB];
	_ =	sdelay $0x1  }
0x99: {  	s4 =	simm.s32 $_scs_section_size  }
0x9a: {  	s5 =	simm.s32 $_size__tile_overlayer_lowered;
	s6 =	simm.s32 $_tile_overlayer_lowered  }
0x9b: {  	s22 =	simm.s32 $0x1BFF;
	s21 =	sshll.u32 s6, $0x1;
	s3 =	sadd.s32 s4, s19  }
0x9c: {  	s7 =	simm.s32 $0x0;
	s20 =	sshll.u32 s5, $0x1;
	s5 =	sadd.s32 s21, s3  }
0x9d: {  	[timem:s7], [sflag:s22] =	dma.local [hbm:s5], s20  }
0x9e: {  	_ =	swait.ge [sflag:s22], s20  }
0x9f: {  	s4 =	ssub.s32 $0x0, s20;
	[sflag:s22] =	ssyncset.done $0x0  }
0xa0: {  	[sflag:s22] =	ssyncadd.s32 s4;
	_ =	sdelay $0x1  }
0xa1: {  	s23 =	simm.s32 $0x1B8B  }
0xa2: {  	_ =	swait.ge [sflag:s23], $0x1  }
0xa3: {  	[sflag:s23] =	ssyncset.done $0x0  }
0xa4: {  	s25 =	simm.s32 $0x1B8E;
	s24 =	sld [smem:$0x3FFE];
	[sflag:s23] =	ssyncadd.s32 $0xFFFFFFFF  }
0xa5: {  	s26 =	simm.s32 $execute0_lowered;
	[smem:$0x3FD2] =	sst s25  }
0xa6: {  	s5 =	sshll.u32 s26, $0x1;
	_ =	strace $0x80000046;
	[dreg:$0x1] =	wrdreg $0xFFFFFFFF  }
0xa7: {  	s28 =	simm.s32 $_size_execute0_lowered;
	s3 =	sadd.s32 s3, s5;
	[dreg:$0x0] =	wrdreg $0x0  }
0xa8: {  	s5 =	sshll.u32 s28, $0x1;
	[dreg:$0x2] =	wrdreg s3  }
0xa9: {  	[dreg:$0x3] =	wrdreg s5  }
0xaa: {  	[dreg:$0x4] =	wrdreg $0xC0  }
0xab: {  	_ =	task [dreg:s7], $0x5FFFF  }
0xac: {  	[dreg:$0x1] =	wrdreg $0xFFFFFFFF  }
0xad: {  	[dreg:$0x0] =	wrdreg $0x60  }
0xae: {  	[dreg:$0x2] =	wrdreg s2  }
0xaf: {  	[dreg:$0x3] =	wrdreg s24  }
0xb0: {  	[dreg:$0x4] =	wrdreg $0x0  }
0xb1: {  	[dreg:$0x5] =	wrdreg $0x9  }
0xb2: {  	_ =	task.clear_ibuf [dreg:s7], $0x6FFFF;
	_ =	strace $0x90000046  }
0xb3: {  	s29 =	simm.s32 $0x9;
	_ =	strace $0x80000048  }
0xb4: {  	_ =	swait.ge [sflag:s29], $0x1  }
0xb5: {  	[sflag:s29] =	ssyncadd.s32 $0xFFFFFFFF  }
0xb6: {  	_ =	strace $0x90000048  }
0xb7: {  	_ =	sfence  }
0xb8: {  	s30 =	sld [smem:$0x0];
	_ =	sdelay $0x2  }
0xb9: {  	s31 =	sshll.u32 s1, $0xD;
	s1 =	sshrl.u32 s1, $0x2  }
0xba: {  	s3 =	sand.u32 $0x4000, s31;
	s1 =	sadd.s32 s1, s30  }
0xbb: {  	s0 =	sor.u32 s3, s0;
	s1 =	sshll.u32 s1, $0x11  }
0xbc: {  	s0 =	sor.u32 s1, s0  }
0xbd: {  	s0 =	sadd.s32 $0x8F2B, s0  }
0xbe: {  	[sflag:s0] =	ssyncadd.remote.s32 $0x1  }
0xbf: {  	_ =	sfence.sel $0xFFFF  }
0xc0: {  	[dreg:$0x0] =	wrdreg $0xFFFFFFFF;
	(pc) =	sbr.abs _section_cstart, $3  }
0xc1: {  	[dreg:$0x1] =	wrdreg $0xFFFFFFFF  }
0xc2: {  	_ =	task.clear_ibuf [dreg:s7], $0x2FFFF;
	_ =	strace $0x9FFFFFFF  }
0xc3: {  	(tm) =	ssettm $0x7FFFFFFF  }
tec
execute0_lowered:
.L_overlay_start_1:
0x0: {  	(tag) =	ssettag $0x1  }
0x1: {  	s1 =	rddreg [dreg:$0x0]  }
0x2: {  	s0 =	rddreg [dreg:$0x1]  }
0x3: {  	s2 =	rddreg [dreg:$0x2]  }
0x4: {  	s10 =	simm.s32 $0x0;
	s3 =	srdreg.scid;
	s8 =	stileid.u32  }
0x5: {  	s29 =	simm.s32 $0x1A440;
	s30 =	simm.s32 $0x1A840;
	s31 =	simm.s32 $0x400  }
0x6: {  	[smem:$0x7FF] =	sst s10;
	s3 =	sand.u32 $0x1, s3;
	s4 =	smul.u32 $0x57800, s8  }
0x7: {  	s5 =	sadd.s32 $0x62A00, s0;
	s6 =	sadd.s32 $0xE00, s0;
	s0 =	sadd.s32 $0xC4600, s0  }
0x8: {  	s19 =	smul.u32 $0x15E0, s8;
	_ =	strace $0x80000047;
	s7 =	ssub.s32 $0x2, s3  }
0x9: {  	[dreg:$0x5] =	wrdreg s0;
	s3 =	smul.u32 $0x12, s3;
	s4 =	sshrl.u32 s4, $0x2  }
0xa: {  	s18 =	sshll.u32 s8, $0xA;
	[dreg:$0x7] =	wrdreg s19;
	s9 =	sadd.s32 s4, s2  }
0xb: {  	s14 =	smul.u32 $0x30D40, s8;
	[dreg:$0x6] =	wrdreg s3;
	s20 =	sadd.s32 $0x2300, s9  }
0xc: {  	s17 =	sshrl.u32 s7, $0x1;
	s21 =	sadd.s32 $0x4600, s9;
	[dreg:$0x8] =	wrdreg s20  }
0xd: {  	s28 =	sshrl.u32 s14, $0x3;
	s22 =	sadd.s32 $0x6900, s9;
	[dreg:$0x9] =	wrdreg s21  }
0xe: {  	s0 =	ssub.s32 s7, s17;
	s23 =	sadd.s32 $0x8C00, s9;
	[dreg:$0xa] =	wrdreg s22  }
0xf: {  	s3 =	simm.s32 $0x4;
	s24 =	sadd.s32 $0xAF00, s9;
	[dreg:$0xb] =	wrdreg s23  }
0x10: {  	s25 =	sadd.s32 $0xD200, s9;
	s26 =	sadd.s32 $0xF500, s9;
	[dreg:$0xc] =	wrdreg s24  }
0x11: {  	s19 =	sadd.s32 $0x11800, s9;
	s0 =	smax.u32 s0, $0x1;
	[dreg:$0xd] =	wrdreg s25  }
0x12: {  	[dreg:$0xe] =	wrdreg s26;
	s20 =	sadd.s32 $0x13B00, s9;
	s21 =	sadd.s32 s5, s28  }
0x13: {  	v0 =	vlaneseq.u32;
	s22 =	sadd.s32 s6, s28;
	[dreg:$0xf] =	wrdreg s0;
	s24 =	simm.s32 $0x16200  }
0x14: {  	v2 =	vimm.f32 $0.0e+00;
	v3 =	vimm.s32 $0x0;
	v1 =	vor.u32 s18, v0;
	s25 =	simm.s32 $0x3;
	s0 =	simm.s32 $0x1AC40;
	s23 =	simm.s32 $0x1B440  }
.LBB2_1:
0x15: {  	[dreg:$0x4] =	wrdreg s10;
	s4 =	simm.s32 $0x40;
	s7 =	simm.s32 $0x0  }
.LBB2_2:
0x16: {  	p0 =	sne.s32 s4, $0x8BC0;
	[tilespmem:s7+$0x16200] =	vst v2;
	s7 =	smov.u32 s4;
	s4 =	sadd.s32 $0x40, s4  }
.Ltmp0:
0x17: {  	(pc) =	sbr.rel @p0 .LBB2_2-.Ltmp0, $2  }
0x18: {  	_ =	sdelay $0x2  }
0x19: {  	s7 =	sshra.s32 s7, $0x2  }
0x1a: {  	[tilespmem:s7+$0x16200] =	vst v2;
	s28 =	simm.s32 $0x0  }
.LBB2_4:
0x1b: {  	[spmem:s9] =	stream.linear.scatter [tilespmem:s24], [sflag:$0x3], $0x2300, $0x38;
	[tilespmem:$0x1F440] =	vst v63  }
0x1c: {  	s4 =	rddreg [dreg:$0x8]  }
0x1d: {  	[spmem:s4] =	stream.linear.scatter [tilespmem:s24], [sflag:$0x3], $0x2300, $0x38;
	[tilespmem:$0x1F440] =	vst v63  }
0x1e: {  	s12 =	rddreg [dreg:$0x9]  }
0x1f: {  	[spmem:s12] =	stream.linear.scatter [tilespmem:s24], [sflag:$0x3], $0x2300, $0x38;
	[tilespmem:$0x1F440] =	vst v63  }
0x20: {  	s13 =	rddreg [dreg:$0xa]  }
0x21: {  	[spmem:s13] =	stream.linear.scatter [tilespmem:s24], [sflag:$0x3], $0x2300, $0x38;
	[tilespmem:$0x1F440] =	vst v63  }
0x22: {  	s15 =	rddreg [dreg:$0xb]  }
0x23: {  	[spmem:s15] =	stream.linear.scatter [tilespmem:s24], [sflag:$0x3], $0x2300, $0x38;
	[tilespmem:$0x1F440] =	vst v63  }
0x24: {  	s16 =	rddreg [dreg:$0xc]  }
0x25: {  	[spmem:s16] =	stream.linear.scatter [tilespmem:s24], [sflag:$0x3], $0x2300, $0x38;
	[tilespmem:$0x1F440] =	vst v63  }
0x26: {  	s17 =	rddreg [dreg:$0xd]  }
0x27: {  	[spmem:s17] =	stream.linear.scatter [tilespmem:s24], [sflag:$0x3], $0x2300, $0x38;
	[tilespmem:$0x1F440] =	vst v63  }
0x28: {  	s18 =	rddreg [dreg:$0xe]  }
0x29: {  	[spmem:s18] =	stream.linear.scatter [tilespmem:s24], [sflag:$0x3], $0x2300, $0x38;
	[tilespmem:$0x1F440] =	vst v63  }
0x2a: {  	_ = 	snop  }
0x2b: {  	[spmem:s19] =	stream.linear.scatter [tilespmem:s24], [sflag:$0x3], $0x2300, $0x38;
	[tilespmem:$0x1F440] =	vst v63  }
0x2c: {  	_ = 	snop  }
0x2d: {  	[spmem:s20] =	stream.linear.scatter [tilespmem:s24], [sflag:$0x3], $0x2300, $0x38;
	[tilespmem:$0x1F440] =	vst v63  }
0x2e: {  	_ =	swait.ge [sflag:s25], $0x2300  }
0x2f: {  	[sflag:s25] =	ssyncset.done $0x0  }
0x30: {  	[sflag:s25] =	ssyncadd.s32 $0xFFFFDD00  }
0x31: {  	_ =	swait.ge [sflag:s25], $0x2300  }
0x32: {  	[sflag:s25] =	ssyncset.done $0x0  }
0x33: {  	[sflag:s25] =	ssyncadd.s32 $0xFFFFDD00  }
0x34: {  	_ =	swait.ge [sflag:s25], $0x2300  }
0x35: {  	[sflag:s25] =	ssyncset.done $0x0  }
0x36: {  	[sflag:s25] =	ssyncadd.s32 $0xFFFFDD00  }
0x37: {  	_ =	swait.ge [sflag:s25], $0x2300  }
0x38: {  	[sflag:s25] =	ssyncset.done $0x0  }
0x39: {  	[sflag:s25] =	ssyncadd.s32 $0xFFFFDD00  }
0x3a: {  	_ =	swait.ge [sflag:s25], $0x2300  }
0x3b: {  	[sflag:s25] =	ssyncset.done $0x0  }
0x3c: {  	[sflag:s25] =	ssyncadd.s32 $0xFFFFDD00  }
0x3d: {  	_ =	swait.ge [sflag:s25], $0x2300  }
0x3e: {  	[sflag:s25] =	ssyncset.done $0x0  }
0x3f: {  	[sflag:s25] =	ssyncadd.s32 $0xFFFFDD00  }
0x40: {  	_ =	swait.ge [sflag:s25], $0x2300  }
0x41: {  	[sflag:s25] =	ssyncset.done $0x0  }
0x42: {  	[sflag:s25] =	ssyncadd.s32 $0xFFFFDD00  }
0x43: {  	_ =	swait.ge [sflag:s25], $0x2300  }
0x44: {  	[sflag:s25] =	ssyncset.done $0x0  }
0x45: {  	[sflag:s25] =	ssyncadd.s32 $0xFFFFDD00  }
0x46: {  	_ =	swait.ge [sflag:s25], $0x2300  }
0x47: {  	[sflag:s25] =	ssyncset.done $0x0  }
0x48: {  	[sflag:s25] =	ssyncadd.s32 $0xFFFFDD00  }
0x49: {  	_ =	swait.ge [sflag:s25], $0x2300  }
0x4a: {  	[sflag:s25] =	ssyncset.done $0x0  }
0x4b: {  	s26 =	simm.s32 $0x0;
	[sflag:s25] =	ssyncadd.s32 $0xFFFFDD00  }
0x4c: {  	s7 =	simm.s32 $0x1A440;
	s8 =	simm.s32 $0x15E00;
	v4 =	vor.u32 s26, v1;
	[bflag:$0x0] =	sbarrier.arrive $0xFFFF  }
0x4d: {  	s4 =	simm.s32 $0x1A840;
	[tilespmem:s7+$0x0] =	vst v4;
	v4 =	vor.u32 s8, v0  }
0x4e: {  	s7 =	simm.s32 $0x10;
	s8 =	simm.s32 $0x1A450;
	[tilespmem:s4+$0x0] =	vst v4  }
.LBB2_5:
0x4f: {  	v4 =	vor.u32 s7, v1;
	s10 =	sadd.s32 $0x15E00, s7;
	p0 =	sne.s32 s7, $0x3F0;
	s7 =	sadd.s32 $0x10, s7  }
.Ltmp1:
0x50: {  	s4 =	sadd.s32 $0x10, s4;
	[tilespmem:s8+$0x0] =	vst v4;
	v4 =	vor.u32 s10, v0;
	(pc) =	sbr.rel @p0 .LBB2_5-.Ltmp1, $2  }
0x51: {  	[tilespmem:s4+$0x0] =	vst v4;
	_ =	sdelay $0x2  }
0x52: {  	s8 =	sadd.s32 $0x10, s8  }
0x53: {  	s4 =	rddreg [dreg:$0x6]  }
.Ltmp2:
0x54: {  	s4 =	sadd.s32 s4, s28;
	(pc) =	sbr.rel .LBB2_8-.Ltmp2, $4  }
0x55: {  	s26 =	simm.s32 $0x0;
	s7 =	simm.s32 $0x18500;
	s4 =	smul.u32 $0x15E00, s4  }
0x56: {  	[tilespmem:s7], [sflag:$0x1] =	stream.linear.gather [hbm4b:s21+s26], $0x7D0, $0x38;
	[tilespmem:$0x1F440] =	vst v63  }
0x57: {  	s17 =	simm.s32 $0x194A0;
	s7 =	simm.s32 $0x0;
	s18 =	sadd.s32 $0x15E00, s4  }
0x58: {  	v31 =	vlaneseq.u32;
	[tilespmem:s17], [sflag:$0x1] =	stream.linear.gather [hbm4b:s22+s26], $0x7D0, $0x38;
	v4 =	vmov s4;
	v5 =	vmov s18;
	[tilespmem:$0x1F440] =	vst v63  }
.LBB2_7:
0x59: {  	p0 =	sgt.u32 s7, $0x63  }
.Ltmp3:
0x5a: {  	_ = 	snop;
	(pc) =	sbr.rel @p0 .LBB2_14-.Ltmp3, $1  }
0x5b: {  	_ =	sdelay $0x3  }
.LBB2_8:
0x5c: {  	s10 =	sand.u32 $0x1, s7  }
0x5d: {  	p0 =	seq.s32 s10, $0x1  }
0x5e: {  	s11 =	simm.s32 @p0 $0x2;
	p1 =	seq.s32 @p0 s7, $0x63  }
0x5f: {  	_ =	swait.ge @p0 [sflag:s11], $0x7D0;
	p2 =	por p1, !p0  }
0x60: {  	s10 =	smul.u32 $0x7D0, s10;
	[sflag:s11] =	ssyncset.done @p0 $0x0;
	s8 =	sadd.s32 @!p2 $0x1, s7  }
0x61: {  	p1 =	por !p1, !p0;
	[sflag:s11] =	ssyncadd.s32 @p0 $0xFFFFF830;
	s12 =	smul.u32 @!p2 $0x7D0, s8  }
0x62: {  	s16 =	sadd.s32 $0x10, s10;
	s17 =	sadd.s32 $0x20, s10;
	_ =	swait.ge @p0 [sflag:s11], $0x7D0  }
0x63: {  	s18 =	sadd.s32 $0x30, s10;
	[sflag:s11] =	ssyncset.done @p0 $0x0;
	s12 =	sadd.s32 @!p2 s14, s12  }
0x64: {  	s13 =	simm.s32 @!p2 $0x0;
	[sflag:s11] =	ssyncadd.s32 @p0 $0xFFFFF830;
	s11 =	sshrl.u32 @!p2 s12, $0x3  }
0x65: {  	s15 =	simm.s32 @!p2 $0x18500;
	s7 =	sor.u32 @!p0 $0x1, s7;
	s12 =	sadd.s32 @!p2 s5, s11  }
0x66: {  	[tilespmem:s15], [sflag:$0x1] =	stream.linear.gather @!p2 [hbm4b:s12+s13], $0x7D0, $0x38;
	[tilespmem:$0x1F440] =	vst v63  }
0x67: {  	v6 =	vmov s16;
	s16 =	sadd.s32 $0x50, s10;
	s11 =	sadd.s32 @!p2 s6, s11;
	s12 =	simm.s32 @!p2 $0x194A0  }
0x68: {  	[tilespmem:s12], [sflag:$0x1] =	stream.linear.gather @!p2 [hbm4b:s11+s13], $0x7D0, $0x38;
	[tilespmem:$0x1F440] =	vst v63  }
0x69: {  	v7 =	vmov s17;
	v8 =	vmov s18;
	s17 =	sadd.s32 $0x60, s10;
	s18 =	sadd.s32 $0x70, s10;
	s11 =	simm.s32 @!p0 $0x1  }
0x6a: {  	v10 =	vmov s16;
	v11 =	vmov s17;
	s16 =	sadd.s32 $0x90, s10;
	s17 =	sadd.s32 $0xA0, s10;
	_ =	swait.ge @!p0 [sflag:s11], $0x7D0  }
0x6b: {  	v12 =	vmov s18;
	s18 =	sadd.s32 $0xB0, s10;
	s8 =	simm.s32 @!p1 $0x64;
	[sflag:s11] =	ssyncset.done @!p0 $0x0  }
0x6c: {  	v14 =	vmov s16;
	s16 =	sadd.s32 $0xD0, s10;
	s12 =	smul.u32 @!p0 $0x7D0, s7;
	[sflag:s11] =	ssyncadd.s32 @!p0 $0xFFFFF830  }
0x6d: {  	v15 =	vmov s17;
	v16 =	vmov s18;
	s17 =	sadd.s32 $0xE0, s10;
	s18 =	sadd.s32 $0xF0, s10;
	_ =	swait.ge @!p0 [sflag:s11], $0x7D0  }
0x6e: {  	v18 =	vmov s16;
	s16 =	sadd.s32 $0x110, s10;
	s12 =	sadd.s32 @!p0 s14, s12;
	[sflag:s11] =	ssyncset.done @!p0 $0x0  }
0x6f: {  	v19 =	vmov s17;
	s17 =	sadd.s32 $0x120, s10;
	[sflag:s11] =	ssyncadd.s32 @!p0 $0xFFFFF830;
	s11 =	sshrl.u32 @!p0 s12, $0x3  }
0x70: {  	s15 =	simm.s32 @!p0 $0x18CD0;
	s13 =	simm.s32 @!p0 $0x0;
	s12 =	sadd.s32 @!p0 s5, s11  }
0x71: {  	[tilespmem:s15], [sflag:$0x2] =	stream.linear.gather @!p0 [hbm4b:s12+s13], $0x7D0, $0x38;
	[tilespmem:$0x1F440] =	vst v63  }
0x72: {  	v20 =	vmov s18;
	s18 =	sadd.s32 $0x130, s10;
	v22 =	vmov s16;
	s16 =	sadd.s32 $0x150, s10;
	s15 =	sadd.s32 $0x40, s10  }
.Ltmp4:
0x73: {  	v23 =	vmov s17;
	s17 =	sadd.s32 $0x160, s10;
	v9 =	vmov s15;
	s15 =	sadd.s32 $0x80, s10;
	(pc) =	sbr.rel .LBB2_9-.Ltmp4, $4  }
0x74: {  	v24 =	vmov s18;
	s18 =	sadd.s32 $0x170, s10;
	s7 =	smov.u32 @p0 s8;
	v13 =	vmov s15;
	s15 =	sadd.s32 $0xC0, s10  }
0x75: {  	v27 =	vmov s10;
	s8 =	simm.s32 $0x0;
	s11 =	sadd.s32 @!p0 s6, s11;
	v17 =	vmov s15;
	s15 =	sadd.s32 $0x100, s10  }
0x76: {  	v26 =	vmov s16;
	v28 =	vmov s17;
	s12 =	simm.s32 @!p0 $0x19C70;
	v21 =	vmov s15;
	s15 =	sadd.s32 $0x140, s10;
	s10 =	sadd.s32 $0x180, s10  }
0x77: {  	v29 =	vmov s18;
	[tilespmem:s12], [sflag:$0x2] =	stream.linear.gather @!p0 [hbm4b:s11+s13], $0x7D0, $0x38;
	v25 =	vmov s15;
	v30 =	vmov s10;
	[tilespmem:$0x1F440] =	vst v63  }
.LBB2_13:
0x78: {  	s8 =	sadd.s32 $0x1, s8  }
0x79: {  	p1 =	seq.s32 s8, $0x5  }
.Ltmp5:
0x7a: {  	_ = 	snop;
	(pc) =	sbr.rel @p1 .LBB2_7-.Ltmp5, $3  }
0x7b: {  	_ =	sdelay $0x1  }
0x7c: {  	p0 =	sgt.u32 s10, $0x8000026F  }
0x7d: {  	v31 =	vpsel p0, v0, v32;
	s26 =	simm.s32 @p0 $0x1  }
.LBB2_9:
0x7e: {  	_ =	sdelay $0x1  }
0x7f: {  	s10 =	smul.u32 $0x190, s8;
	_ =	sdelay $0x1  }
0x80: {  	v32 =	vld.idx.msk [tilespmem:v27+s10+$0x18500 ss:$0x1], $0xffff;
	_ =	sdelay $0x4  }
0x81: {  	vm0 =	vge.s32 v32, v4;
	vm1 =	vlt.s32 v32, v5  }
0x82: {  	vm0 =	vmand vm0, vm1  }
0x83: {  	v33 =	vld.idx.msk [tilespmem:v27+s10+$0x194A0 ss:$0x1], $0xffff;
	_ =	sdelay $0x3  }
0x84: {  	v34 =	vld.idx.msk [tilespmem:v6+s10+$0x18500 ss:$0x1], $0xffff  }
0x85: {  	v35 =	vld.idx.msk [tilespmem:v6+s10+$0x194A0 ss:$0x1], $0xffff;
	v32 =	vsub.s32 v32, v4;
	[tilespmem:v31+s29+$0x0] =	vst.idx.msk vm0, v33  }
0x86: {  	[tilespmem:v31+s30+$0x0] =	vst.idx.msk vm0, v32  }
0x87: {  	v32 =	vld.idx.msk [tilespmem:v7+s10+$0x18500 ss:$0x1], $0xffff;
	_ =	sdelay $0x1  }
0x88: {  	vm4 =	vge.s32 v34, v4;
	vm2 =	vlt.s32 v34, v5  }
0x89: {  	vm5 =	vmand vm4, vm2;
	v43 =	vsel vm0, $0x10, v3  }
0x8a: {  	v36 =	vsel vm5, $0x10, v3;
	v33 =	vadd.s32 v31, v43  }
0x8b: {  	v36 =	vadd.s32 v33, v36;
	vm6 =	vge.s32 v32, v4;
	vm7 =	vlt.s32 v32, v5  }
0x8c: {  	v31 =	vand.u32 $0x7, v31;
	v37 =	vand.u32 $0xFFFFFFF8, v36;
	vm1 =	vmand vm6, vm7  }
0x8d: {  	v38 =	vld.idx.msk [tilespmem:v7+s10+$0x194A0 ss:$0x1], $0xffff;
	v37 =	vor.u32 v31, v37;
	_ =	sdelay $0x1  }
0x8e: {  	v34 =	vsub.s32 v34, v4;
	[tilespmem:v33+s29+$0x0] =	vst.idx.msk vm5, v35  }
0x8f: {  	[tilespmem:v33+s30+$0x0] =	vst.idx.msk vm5, v34  }
0x90: {  	v33 =	vld.idx.msk [tilespmem:v8+s10+$0x18500 ss:$0x1], $0xffff  }
0x91: {  	v34 =	vld.idx.msk [tilespmem:v8+s10+$0x194A0 ss:$0x1], $0xffff;
	v32 =	vsub.s32 v32, v4;
	[tilespmem:v37+s29+$0x0] =	vst.idx.msk vm1, v38  }
0x92: {  	[tilespmem:v37+s30+$0x0] =	vst.idx.msk vm1, v32  }
0x93: {  	v35 =	vld.idx.msk [tilespmem:v9+s10+$0x18500 ss:$0x1], $0xffff  }
0x94: {  	v44 =	vsel vm1, $0x10, v3  }
0x95: {  	vm8 =	vge.s32 v33, v4;
	vm9 =	vlt.s32 v33, v5;
	v32 =	vadd.s32 v36, v44  }
0x96: {  	vm0 =	vmand vm8, vm9;
	v36 =	vand.u32 $0xFFFFFFF8, v32  }
0x97: {  	v45 =	vsel vm0, $0x10, v3;
	v36 =	vor.u32 v31, v36  }
0x98: {  	v32 =	vadd.s32 v32, v45;
	vm10 =	vge.s32 v35, v4;
	vm11 =	vlt.s32 v35, v5  }
0x99: {  	v37 =	vand.u32 $0xFFFFFFF8, v32;
	vm1 =	vmand vm10, vm11  }
0x9a: {  	v38 =	vld.idx.msk [tilespmem:v9+s10+$0x194A0 ss:$0x1], $0xffff;
	v37 =	vor.u32 v31, v37;
	_ =	sdelay $0x1  }
0x9b: {  	v33 =	vsub.s32 v33, v4;
	[tilespmem:v36+s29+$0x0] =	vst.idx.msk vm0, v34  }
0x9c: {  	[tilespmem:v36+s30+$0x0] =	vst.idx.msk vm0, v33  }
0x9d: {  	v33 =	vld.idx.msk [tilespmem:v10+s10+$0x18500 ss:$0x1], $0xffff  }
0x9e: {  	v35 =	vsub.s32 v35, v4;
	v34 =	vld.idx.msk [tilespmem:v10+s10+$0x194A0 ss:$0x1], $0xffff;
	[tilespmem:v37+s29+$0x0] =	vst.idx.msk vm1, v38  }
0x9f: {  	[tilespmem:v37+s30+$0x0] =	vst.idx.msk vm1, v35  }
0xa0: {  	v36 =	vld.idx.msk [tilespmem:v11+s10+$0x18500 ss:$0x1], $0xffff  }
0xa1: {  	v46 =	vsel vm1, $0x10, v3  }
0xa2: {  	v32 =	vadd.s32 v32, v46;
	vm12 =	vge.s32 v33, v4;
	vm13 =	vlt.s32 v33, v5  }
0xa3: {  	v35 =	vand.u32 $0xFFFFFFF8, v32;
	vm0 =	vmand vm12, vm13  }
0xa4: {  	v35 =	vor.u32 v31, v35;
	v47 =	vsel vm0, $0x10, v3  }
0xa5: {  	v32 =	vadd.s32 v32, v47;
	vm14 =	vge.s32 v36, v4;
	vm15 =	vlt.s32 v36, v5  }
0xa6: {  	v37 =	vand.u32 $0xFFFFFFF8, v32;
	vm1 =	vmand vm14, vm15  }
0xa7: {  	v38 =	vld.idx.msk [tilespmem:v11+s10+$0x194A0 ss:$0x1], $0xffff;
	v37 =	vor.u32 v31, v37;
	_ =	sdelay $0x1  }
0xa8: {  	v33 =	vsub.s32 v33, v4;
	[tilespmem:v35+s29+$0x0] =	vst.idx.msk vm0, v34  }
0xa9: {  	[tilespmem:v35+s30+$0x0] =	vst.idx.msk vm0, v33  }
0xaa: {  	v33 =	vld.idx.msk [tilespmem:v12+s10+$0x18500 ss:$0x1], $0xffff  }
0xab: {  	v48 =	vsub.s32 v36, v4;
	v34 =	vld.idx.msk [tilespmem:v12+s10+$0x194A0 ss:$0x1], $0xffff;
	[tilespmem:v37+s29+$0x0] =	vst.idx.msk vm1, v38  }
0xac: {  	[tilespmem:v37+s30+$0x0] =	vst.idx.msk vm1, v48  }
0xad: {  	v50 =	vld.idx.msk [tilespmem:v13+s10+$0x18500 ss:$0x1], $0xffff  }
0xae: {  	v49 =	vsel vm1, $0x10, v3  }
0xaf: {  	v32 =	vadd.s32 v32, v49;
	vm4 =	vge.s32 v33, v4;
	vm5 =	vlt.s32 v33, v5  }
0xb0: {  	v35 =	vand.u32 $0xFFFFFFF8, v32;
	vm0 =	vmand vm4, vm5  }
0xb1: {  	v35 =	vor.u32 v31, v35;
	v51 =	vsel vm0, $0x10, v3  }
0xb2: {  	v32 =	vadd.s32 v32, v51;
	vm6 =	vge.s32 v50, v4;
	vm7 =	vlt.s32 v50, v5  }
0xb3: {  	v37 =	vand.u32 $0xFFFFFFF8, v32;
	vm1 =	vmand vm6, vm7  }
0xb4: {  	v38 =	vld.idx.msk [tilespmem:v13+s10+$0x194A0 ss:$0x1], $0xffff;
	v37 =	vor.u32 v31, v37;
	_ =	sdelay $0x1  }
0xb5: {  	v33 =	vsub.s32 v33, v4;
	[tilespmem:v35+s29+$0x0] =	vst.idx.msk vm0, v34  }
0xb6: {  	[tilespmem:v35+s30+$0x0] =	vst.idx.msk vm0, v33  }
0xb7: {  	v33 =	vld.idx.msk [tilespmem:v14+s10+$0x18500 ss:$0x1], $0xffff  }
0xb8: {  	v52 =	vsub.s32 v50, v4;
	v34 =	vld.idx.msk [tilespmem:v14+s10+$0x194A0 ss:$0x1], $0xffff;
	[tilespmem:v37+s29+$0x0] =	vst.idx.msk vm1, v38  }
0xb9: {  	[tilespmem:v37+s30+$0x0] =	vst.idx.msk vm1, v52  }
0xba: {  	v54 =	vld.idx.msk [tilespmem:v15+s10+$0x18500 ss:$0x1], $0xffff  }
0xbb: {  	v53 =	vsel vm1, $0x10, v3  }
0xbc: {  	v32 =	vadd.s32 v32, v53;
	vm8 =	vge.s32 v33, v4;
	vm9 =	vlt.s32 v33, v5  }
0xbd: {  	v35 =	vand.u32 $0xFFFFFFF8, v32;
	vm0 =	vmand vm8, vm9  }
0xbe: {  	v35 =	vor.u32 v31, v35;
	v55 =	vsel vm0, $0x10, v3  }
0xbf: {  	v32 =	vadd.s32 v32, v55;
	vm10 =	vge.s32 v54, v4;
	vm11 =	vlt.s32 v54, v5  }
0xc0: {  	v37 =	vand.u32 $0xFFFFFFF8, v32;
	vm1 =	vmand vm10, vm11  }
0xc1: {  	v38 =	vld.idx.msk [tilespmem:v15+s10+$0x194A0 ss:$0x1], $0xffff;
	v37 =	vor.u32 v31, v37;
	_ =	sdelay $0x1  }
0xc2: {  	v33 =	vsub.s32 v33, v4;
	[tilespmem:v35+s29+$0x0] =	vst.idx.msk vm0, v34  }
0xc3: {  	[tilespmem:v35+s30+$0x0] =	vst.idx.msk vm0, v33  }
0xc4: {  	v33 =	vld.idx.msk [tilespmem:v16+s10+$0x18500 ss:$0x1], $0xffff  }
0xc5: {  	v56 =	vsub.s32 v54, v4;
	v34 =	vld.idx.msk [tilespmem:v16+s10+$0x194A0 ss:$0x1], $0xffff;
	[tilespmem:v37+s29+$0x0] =	vst.idx.msk vm1, v38  }
0xc6: {  	[tilespmem:v37+s30+$0x0] =	vst.idx.msk vm1, v56  }
0xc7: {  	v58 =	vld.idx.msk [tilespmem:v17+s10+$0x18500 ss:$0x1], $0xffff  }
0xc8: {  	v57 =	vsel vm1, $0x10, v3  }
0xc9: {  	v32 =	vadd.s32 v32, v57;
	vm12 =	vge.s32 v33, v4;
	vm13 =	vlt.s32 v33, v5  }
0xca: {  	v35 =	vand.u32 $0xFFFFFFF8, v32;
	vm0 =	vmand vm12, vm13  }
0xcb: {  	v35 =	vor.u32 v31, v35;
	v59 =	vsel vm0, $0x10, v3  }
0xcc: {  	v32 =	vadd.s32 v32, v59;
	vm14 =	vge.s32 v58, v4;
	vm15 =	vlt.s32 v58, v5  }
0xcd: {  	v37 =	vand.u32 $0xFFFFFFF8, v32;
	vm1 =	vmand vm14, vm15  }
0xce: {  	v38 =	vld.idx.msk [tilespmem:v17+s10+$0x194A0 ss:$0x1], $0xffff;
	v37 =	vor.u32 v31, v37;
	_ =	sdelay $0x1  }
0xcf: {  	v33 =	vsub.s32 v33, v4;
	[tilespmem:v35+s29+$0x0] =	vst.idx.msk vm0, v34  }
0xd0: {  	[tilespmem:v35+s30+$0x0] =	vst.idx.msk vm0, v33  }
0xd1: {  	v33 =	vld.idx.msk [tilespmem:v18+s10+$0x18500 ss:$0x1], $0xffff  }
0xd2: {  	v60 =	vsub.s32 v58, v4;
	v34 =	vld.idx.msk [tilespmem:v18+s10+$0x194A0 ss:$0x1], $0xffff;
	[tilespmem:v37+s29+$0x0] =	vst.idx.msk vm1, v38  }
0xd3: {  	[tilespmem:v37+s30+$0x0] =	vst.idx.msk vm1, v60  }
0xd4: {  	v62 =	vld.idx.msk [tilespmem:v19+s10+$0x18500 ss:$0x1], $0xffff  }
0xd5: {  	v61 =	vsel vm1, $0x10, v3  }
0xd6: {  	v32 =	vadd.s32 v32, v61;
	vm4 =	vge.s32 v33, v4;
	vm5 =	vlt.s32 v33, v5  }
0xd7: {  	v35 =	vand.u32 $0xFFFFFFF8, v32;
	vm0 =	vmand vm4, vm5  }
0xd8: {  	v35 =	vor.u32 v31, v35;
	v63 =	vsel vm0, $0x10, v3  }
0xd9: {  	v32 =	vadd.s32 v32, v63;
	vm6 =	vge.s32 v62, v4;
	vm7 =	vlt.s32 v62, v5  }
0xda: {  	v37 =	vand.u32 $0xFFFFFFF8, v32;
	vm1 =	vmand vm6, vm7  }
0xdb: {  	v38 =	vld.idx.msk [tilespmem:v19+s10+$0x194A0 ss:$0x1], $0xffff;
	v37 =	vor.u32 v31, v37;
	_ =	sdelay $0x1  }
0xdc: {  	v33 =	vsub.s32 v33, v4;
	[tilespmem:v35+s29+$0x0] =	vst.idx.msk vm0, v34  }
0xdd: {  	[tilespmem:v35+s30+$0x0] =	vst.idx.msk vm0, v33  }
0xde: {  	v33 =	vld.idx.msk [tilespmem:v20+s10+$0x18500 ss:$0x1], $0xffff  }
0xdf: {  	v40 =	vsub.s32 v62, v4;
	v34 =	vld.idx.msk [tilespmem:v20+s10+$0x194A0 ss:$0x1], $0xffff;
	[tilespmem:v37+s29+$0x0] =	vst.idx.msk vm1, v38  }
0xe0: {  	[tilespmem:v37+s30+$0x0] =	vst.idx.msk vm1, v40  }
0xe1: {  	v42 =	vld.idx.msk [tilespmem:v21+s10+$0x18500 ss:$0x1], $0xffff  }
0xe2: {  	v41 =	vsel vm1, $0x10, v3  }
0xe3: {  	v32 =	vadd.s32 v32, v41;
	vm8 =	vge.s32 v33, v4;
	vm9 =	vlt.s32 v33, v5  }
0xe4: {  	v35 =	vand.u32 $0xFFFFFFF8, v32;
	vm0 =	vmand vm8, vm9  }
0xe5: {  	v35 =	vor.u32 v31, v35;
	v43 =	vsel vm0, $0x10, v3  }
0xe6: {  	v32 =	vadd.s32 v32, v43;
	vm10 =	vge.s32 v42, v4;
	vm11 =	vlt.s32 v42, v5  }
0xe7: {  	v37 =	vand.u32 $0xFFFFFFF8, v32;
	vm1 =	vmand vm10, vm11  }
0xe8: {  	v38 =	vld.idx.msk [tilespmem:v21+s10+$0x194A0 ss:$0x1], $0xffff;
	v37 =	vor.u32 v31, v37;
	_ =	sdelay $0x1  }
0xe9: {  	v33 =	vsub.s32 v33, v4;
	[tilespmem:v35+s29+$0x0] =	vst.idx.msk vm0, v34  }
0xea: {  	[tilespmem:v35+s30+$0x0] =	vst.idx.msk vm0, v33  }
0xeb: {  	v33 =	vld.idx.msk [tilespmem:v22+s10+$0x18500 ss:$0x1], $0xffff  }
0xec: {  	v44 =	vsub.s32 v42, v4;
	v34 =	vld.idx.msk [tilespmem:v22+s10+$0x194A0 ss:$0x1], $0xffff;
	[tilespmem:v37+s29+$0x0] =	vst.idx.msk vm1, v38  }
0xed: {  	[tilespmem:v37+s30+$0x0] =	vst.idx.msk vm1, v44  }
0xee: {  	v46 =	vld.idx.msk [tilespmem:v23+s10+$0x18500 ss:$0x1], $0xffff  }
0xef: {  	v45 =	vsel vm1, $0x10, v3  }
0xf0: {  	v32 =	vadd.s32 v32, v45;
	vm12 =	vge.s32 v33, v4;
	vm13 =	vlt.s32 v33, v5  }
0xf1: {  	v35 =	vand.u32 $0xFFFFFFF8, v32;
	vm0 =	vmand vm12, vm13  }
0xf2: {  	v35 =	vor.u32 v31, v35;
	v47 =	vsel vm0, $0x10, v3  }
0xf3: {  	v32 =	vadd.s32 v32, v47;
	vm14 =	vge.s32 v46, v4;
	vm15 =	vlt.s32 v46, v5  }
0xf4: {  	v37 =	vand.u32 $0xFFFFFFF8, v32;
	vm1 =	vmand vm14, vm15  }
0xf5: {  	v38 =	vld.idx.msk [tilespmem:v23+s10+$0x194A0 ss:$0x1], $0xffff;
	v37 =	vor.u32 v31, v37;
	_ =	sdelay $0x1  }
0xf6: {  	v33 =	vsub.s32 v33, v4;
	[tilespmem:v35+s29+$0x0] =	vst.idx.msk vm0, v34  }
0xf7: {  	[tilespmem:v35+s30+$0x0] =	vst.idx.msk vm0, v33  }
0xf8: {  	v33 =	vld.idx.msk [tilespmem:v24+s10+$0x18500 ss:$0x1], $0xffff  }
0xf9: {  	v48 =	vsub.s32 v46, v4;
	v34 =	vld.idx.msk [tilespmem:v24+s10+$0x194A0 ss:$0x1], $0xffff;
	[tilespmem:v37+s29+$0x0] =	vst.idx.msk vm1, v38  }
0xfa: {  	[tilespmem:v37+s30+$0x0] =	vst.idx.msk vm1, v48  }
0xfb: {  	v50 =	vld.idx.msk [tilespmem:v25+s10+$0x18500 ss:$0x1], $0xffff  }
0xfc: {  	v49 =	vsel vm1, $0x10, v3  }
0xfd: {  	v32 =	vadd.s32 v32, v49;
	vm4 =	vge.s32 v33, v4;
	vm5 =	vlt.s32 v33, v5  }
0xfe: {  	v35 =	vand.u32 $0xFFFFFFF8, v32;
	vm0 =	vmand vm4, vm5  }
0xff: {  	v35 =	vor.u32 v31, v35;
	v51 =	vsel vm0, $0x10, v3  }
0x100: {  	v32 =	vadd.s32 v32, v51;
	vm6 =	vge.s32 v50, v4;
	vm7 =	vlt.s32 v50, v5  }
0x101: {  	v37 =	vand.u32 $0xFFFFFFF8, v32;
	vm1 =	vmand vm6, vm7  }
0x102: {  	v38 =	vld.idx.msk [tilespmem:v25+s10+$0x194A0 ss:$0x1], $0xffff;
	v37 =	vor.u32 v31, v37;
	_ =	sdelay $0x1  }
0x103: {  	v33 =	vsub.s32 v33, v4;
	[tilespmem:v35+s29+$0x0] =	vst.idx.msk vm0, v34  }
0x104: {  	[tilespmem:v35+s30+$0x0] =	vst.idx.msk vm0, v33  }
0x105: {  	v33 =	vld.idx.msk [tilespmem:v26+s10+$0x18500 ss:$0x1], $0xffff  }
0x106: {  	v52 =	vsub.s32 v50, v4;
	v34 =	vld.idx.msk [tilespmem:v26+s10+$0x194A0 ss:$0x1], $0xffff;
	[tilespmem:v37+s29+$0x0] =	vst.idx.msk vm1, v38  }
0x107: {  	[tilespmem:v37+s30+$0x0] =	vst.idx.msk vm1, v52  }
0x108: {  	v54 =	vld.idx.msk [tilespmem:v28+s10+$0x18500 ss:$0x1], $0xffff  }
0x109: {  	v53 =	vsel vm1, $0x10, v3  }
0x10a: {  	v32 =	vadd.s32 v32, v53;
	vm8 =	vge.s32 v33, v4;
	vm9 =	vlt.s32 v33, v5  }
0x10b: {  	v35 =	vand.u32 $0xFFFFFFF8, v32;
	vm0 =	vmand vm8, vm9  }
0x10c: {  	v35 =	vor.u32 v31, v35;
	v55 =	vsel vm0, $0x10, v3  }
0x10d: {  	v32 =	vadd.s32 v32, v55;
	vm10 =	vge.s32 v54, v4;
	vm11 =	vlt.s32 v54, v5  }
0x10e: {  	v37 =	vand.u32 $0xFFFFFFF8, v32;
	vm1 =	vmand vm10, vm11  }
0x10f: {  	v38 =	vld.idx.msk [tilespmem:v28+s10+$0x194A0 ss:$0x1], $0xffff;
	v37 =	vor.u32 v31, v37;
	_ =	sdelay $0x1  }
0x110: {  	v33 =	vsub.s32 v33, v4;
	[tilespmem:v35+s29+$0x0] =	vst.idx.msk vm0, v34  }
0x111: {  	[tilespmem:v35+s30+$0x0] =	vst.idx.msk vm0, v33  }
0x112: {  	v33 =	vld.idx.msk [tilespmem:v29+s10+$0x18500 ss:$0x1], $0xffff  }
0x113: {  	v56 =	vsub.s32 v54, v4;
	v34 =	vld.idx.msk [tilespmem:v29+s10+$0x194A0 ss:$0x1], $0xffff;
	[tilespmem:v37+s29+$0x0] =	vst.idx.msk vm1, v38  }
0x114: {  	[tilespmem:v37+s30+$0x0] =	vst.idx.msk vm1, v56  }
0x115: {  	v35 =	vld.idx.msk [tilespmem:v30+s10+$0x18500 ss:$0x1], $0xffff;
	_ =	sdelay $0x3  }
0x116: {  	v57 =	vsel vm1, $0x10, v3;
	vm12 =	vge.s32 v33, v4;
	vm13 =	vlt.s32 v33, v5  }
0x117: {  	vm0 =	vmand vm12, vm13;
	vm14 =	vge.s32 v35, v4;
	vm15 =	vlt.s32 v35, v5  }
0x118: {  	v36 =	vadd.s32 v32, v57;
	v58 =	vsel vm0, $0x10, v3;
	vm1 =	vmand vm14, vm15  }
0x119: {  	v59 =	vadd.s32 v36, v58;
	v60 =	vsel vm1, $0x10, v3  }
0x11a: {  	v32 =	vadd.s32 v59, v60  }
0x11b: {  	v61 =	vxor.u32 $0x80000000, v32  }
0x11c: {  	(xrf0) =	vmax.scan.msk.u32 $0xffff, v61;
	_ =	sdelay $0x5  }
0x11d: {  	v38, _, _ =	vpop (xrf0)  }
0x11e: {  	(v2sf) =	vpush v38, $0xF;
	_ =	sdelay $0xb  }
0x11f: {  	v36 =	vand.u32 $0xFFFFFFF8, v36  }
0x120: {  	v36 =	vor.u32 v31, v36  }
0x121: {  	v37 =	vand.u32 $0xFFFFFFF8, v59  }
0x122: {  	v62 =	vld.idx.msk [tilespmem:v30+s10+$0x194A0 ss:$0x1], $0xffff;
	v31 =	vor.u32 v31, v37;
	s10 =	spop (v2sf)  }
0x123: {  	p0 =	slt.u32 s10, $0x80000270  }
.Ltmp6:
0x124: {  	_ = 	snop;
	(pc) =	sbr.rel @p0 .LBB2_13-.Ltmp6, $4  }
0x125: {  	v33 =	vsub.s32 v33, v4;
	[tilespmem:v36+s29+$0x0] =	vst.idx.msk vm0, v34  }
0x126: {  	[tilespmem:v36+s30+$0x0] =	vst.idx.msk vm0, v33  }
0x127: {  	v63 =	vsub.s32 v35, v4;
	[tilespmem:v31+s29+$0x0] =	vst.idx.msk vm1, v62  }
0x128: {  	[tilespmem:v31+s30+$0x0] =	vst.idx.msk vm1, v63  }
0x129: {  	p0 =	seq.s32 s26, $0x0  }
0x12a: {  	s11 =	simm.s32 @!p0 $0x3  }
0x12b: {  	_ =	swait.ge @!p0 [sflag:s11], $0x4000  }
0x12c: {  	s12 =	simm.s32 @!p0 $0x1B040;
	[sflag:s11] =	ssyncset.done @!p0 $0x0  }
0x12d: {  	s13 =	simm.s32 @!p0 $0x1B440;
	[sflag:s11] =	ssyncadd.s32 @!p0 $0xFFFFC000;
	s11 =	simm.s32 @!p0 $0x400  }
0x12e: {  	[spmem:s2] =	stream.indirect.scatter.add.f32 @!p0 [tilespmem:s13], [sflag:$0x4], $0x10, s12, s11, $0xb8;
	[tilespmem:$0x1F440] =	vst v63  }
0x12f: {  	s11 =	simm.s32 @!p0 $0x4  }
0x130: {  	_ =	swait.ge @!p0 [sflag:s11], $0x4000  }
0x131: {  	[sflag:s11] =	ssyncset.done @!p0 $0x0  }
0x132: {  	s15 =	simm.s32 $0x1A440;
	[sflag:s11] =	ssyncadd.s32 @!p0 $0xFFFFC000  }
0x133: {  	v31 =	vld [tilespmem:s15+$0x0];
	_ =	sdelay $0x3  }
0x134: {  	s12 =	simm.s32 $0x1AC40  }
0x135: {  	s11 =	simm.s32 $0x1A840;
	[tilespmem:s12+$0x0] =	vst v31  }
0x136: {  	v31 =	vld [tilespmem:s11+$0x0];
	_ =	sdelay $0x3  }
0x137: {  	s16 =	simm.s32 $0x0;
	s13 =	simm.s32 $0x1B040  }
0x138: {  	s18 =	simm.s32 $0x15E00;
	[tilespmem:s13+$0x0] =	vst v31;
	v31 =	vor.u32 s16, v1  }
0x139: {  	[tilespmem:s15+$0x0] =	vst v31;
	v31 =	vor.u32 s18, v0  }
0x13a: {  	s15 =	simm.s32 $0x1A450;
	[tilespmem:s11+$0x0] =	vst v31  }
0x13b: {  	v31 =	vld [tilespmem:s15+$0x0];
	_ =	sdelay $0x1  }
0x13c: {  	s17 =	simm.s32 $0x20;
	s16 =	simm.s32 $0x10  }
.LBB2_11:
0x13d: {  	p0 =	sne.s32 s17, $0x3F0  }
0x13e: {  	s12 =	sadd.s32 $0x10, s12  }
0x13f: {  	s11 =	sadd.s32 $0x10, s11;
	[tilespmem:s12+$0x0] =	vst v31  }
0x140: {  	v31 =	vld [tilespmem:s11+$0x0];
	_ =	sdelay $0x3  }
0x141: {  	s13 =	sadd.s32 $0x10, s13  }
0x142: {  	s18 =	sadd.s32 $0x15E00, s16;
	[tilespmem:s13+$0x0] =	vst v31;
	v31 =	vor.u32 s16, v1;
	s16 =	smov.u32 s17  }
.Ltmp7:
0x143: {  	[tilespmem:s15+$0x0] =	vst v31;
	v31 =	vor.u32 s18, v0;
	(pc) =	sbr.rel @p0 .LBB2_11-.Ltmp7, $3  }
0x144: {  	s15 =	sadd.s32 $0x10, s15;
	[tilespmem:s11+$0x0] =	vst v31  }
0x145: {  	v31 =	vld [tilespmem:s15+$0x0];
	_ =	sdelay $0x1  }
0x146: {  	s17 =	sadd.s32 $0x10, s17  }
0x147: {  	_ = 	snop  }
0x148: {  	s12 =	sadd.s32 $0x10, s12  }
0x149: {  	s11 =	sadd.s32 $0x10, s11;
	[tilespmem:s12+$0x0] =	vst v31  }
0x14a: {  	v31 =	vld [tilespmem:s11+$0x0];
	_ =	sdelay $0x3  }
.Ltmp8:
0x14b: {  	s17 =	sadd.s32 $0x10, s13;
	(pc) =	sbr.rel .LBB2_13-.Ltmp8, $4  }
0x14c: {  	s18 =	sadd.s32 $0x15E00, s16;
	[tilespmem:s17+$0x0] =	vst v31;
	v31 =	vor.u32 s16, v1  }
0x14d: {  	[tilespmem:s15+$0x0] =	vst v31;
	v31 =	vor.u32 s18, v0  }
0x14e: {  	[tilespmem:s11+$0x0] =	vst v31  }
0x14f: {  	[tilespmem:s23], [sflag:$0x3] =	stream.indirect.gather [hbm4b:s1+s31], $0x10, s0, s31, $0xb8;
	[tilespmem:$0x1F440] =	vst v63  }
.LBB2_14:
0x150: {  	p0 =	sne.s32 s26, $0x1  }
0x151: {  	s7 =	simm.s32 @!p0 $0x3  }
0x152: {  	_ =	swait.ge @!p0 [sflag:s7], $0x4000  }
0x153: {  	s8 =	simm.s32 @!p0 $0x1B040;
	[sflag:s7] =	ssyncset.done @!p0 $0x0  }
0x154: {  	s10 =	simm.s32 @!p0 $0x1B440;
	[sflag:s7] =	ssyncadd.s32 @!p0 $0xFFFFC000;
	s7 =	simm.s32 @!p0 $0x400  }
0x155: {  	[spmem:s2] =	stream.indirect.scatter.add.f32 @!p0 [tilespmem:s10], [sflag:$0x4], $0x10, s8, s7, $0xb8;
	[tilespmem:$0x1F440] =	vst v63  }
0x156: {  	s7 =	simm.s32 @!p0 $0x4  }
0x157: {  	_ =	swait.ge @!p0 [sflag:s7], $0x4000  }
0x158: {  	[sflag:s7] =	ssyncset.done @!p0 $0x0  }
0x159: {  	s11 =	simm.s32 $0x1A440;
	[sflag:s7] =	ssyncadd.s32 @!p0 $0xFFFFC000  }
0x15a: {  	v4 =	vld [tilespmem:s11+$0x0];
	_ =	sdelay $0x3  }
0x15b: {  	s8 =	simm.s32 $0x1AC40  }
0x15c: {  	s7 =	simm.s32 $0x1A840;
	[tilespmem:s8+$0x0] =	vst v4  }
0x15d: {  	v4 =	vld [tilespmem:s7+$0x0];
	_ =	sdelay $0x3  }
0x15e: {  	s12 =	simm.s32 $0x0;
	s10 =	simm.s32 $0x1B040  }
0x15f: {  	s26 =	simm.s32 $0x15E00;
	[tilespmem:s10+$0x0] =	vst v4;
	v4 =	vor.u32 s12, v1  }
0x160: {  	[tilespmem:s11+$0x0] =	vst v4;
	v4 =	vor.u32 s26, v0  }
0x161: {  	s11 =	simm.s32 $0x1A450;
	[tilespmem:s7+$0x0] =	vst v4  }
0x162: {  	v4 =	vld [tilespmem:s11+$0x0];
	_ =	sdelay $0x1  }
0x163: {  	s13 =	simm.s32 $0x20;
	s12 =	simm.s32 $0x10  }
.LBB2_15:
0x164: {  	p0 =	sne.s32 s13, $0x3F0  }
0x165: {  	s8 =	sadd.s32 $0x10, s8  }
0x166: {  	s7 =	sadd.s32 $0x10, s7;
	[tilespmem:s8+$0x0] =	vst v4  }
0x167: {  	v4 =	vld [tilespmem:s7+$0x0];
	_ =	sdelay $0x3  }
0x168: {  	s10 =	sadd.s32 $0x10, s10  }
0x169: {  	s15 =	sadd.s32 $0x15E00, s12;
	[tilespmem:s10+$0x0] =	vst v4;
	v4 =	vor.u32 s12, v1;
	s12 =	smov.u32 s13  }
.Ltmp9:
0x16a: {  	[tilespmem:s11+$0x0] =	vst v4;
	v4 =	vor.u32 s15, v0;
	(pc) =	sbr.rel @p0 .LBB2_15-.Ltmp9, $3  }
0x16b: {  	s11 =	sadd.s32 $0x10, s11;
	[tilespmem:s7+$0x0] =	vst v4  }
0x16c: {  	v4 =	vld [tilespmem:s11+$0x0];
	_ =	sdelay $0x1  }
0x16d: {  	s13 =	sadd.s32 $0x10, s13  }
0x16e: {  	_ = 	snop  }
0x16f: {  	s8 =	sadd.s32 $0x10, s8  }
0x170: {  	s7 =	sadd.s32 $0x10, s7;
	[tilespmem:s8+$0x0] =	vst v4  }
0x171: {  	v4 =	vld [tilespmem:s7+$0x0];
	_ =	sdelay $0x3  }
0x172: {  	s10 =	sadd.s32 $0x10, s10  }
0x173: {  	s13 =	sadd.s32 $0x15E00, s12;
	[tilespmem:s10+$0x0] =	vst v4;
	v4 =	vor.u32 s12, v1  }
0x174: {  	[tilespmem:s11+$0x0] =	vst v4;
	v4 =	vor.u32 s13, v0  }
0x175: {  	[tilespmem:s7+$0x0] =	vst v4  }
0x176: {  	[tilespmem:s23], [sflag:$0x3] =	stream.indirect.gather [hbm4b:s1+s31], $0x10, s0, s31, $0xb8;
	[tilespmem:$0x1F440] =	vst v63  }
0x177: {  	_ =	swait.ge [sflag:s25], $0x4000  }
0x178: {  	[sflag:s25] =	ssyncset.done $0x0  }
0x179: {  	s15 =	simm.s32 $0x1B040;
	[sflag:s25] =	ssyncadd.s32 $0xFFFFC000  }
0x17a: {  	[spmem:s2] =	stream.indirect.scatter.add.f32 [tilespmem:s23], [sflag:$0x4], $0x10, s15, s31, $0xb8;
	[tilespmem:$0x1F440] =	vst v63  }
0x17b: {  	_ =	swait.ge [sflag:s3], $0x4000  }
0x17c: {  	s17 =	stileid.u32;
	s26 =	sshrl.u32 s9, $0x3;
	[sflag:s3] =	ssyncset.done $0x0  }
0x17d: {  	s28 =	sadd.s32 $0x1, s28;
	s16 =	rddreg [dreg:$0x7];
	[sflag:s3] =	ssyncadd.s32 $0xFFFFC000  }
0x17e: {  	p0 =	sne.s32 s28, $0x12;
	s4 =	sadd.s32 s16, s4;
	[bflag:$0x0] =	sbarrier.arrive $0xFFFF  }
0x17f: {  	s7 =	sshll.u32 s17, $0x6;
	s4 =	sshll.u32 s4, $0x1;
	s18 =	rddreg [dreg:$0x5]  }
.Ltmp10:
0x180: {  	s7 =	sor.u32 $0x1C04, s7;
	s4 =	sadd.s32 s18, s4;
	(pc) =	sbr.rel @p0 .LBB2_4-.Ltmp10, $4  }
0x181: {  	[hbm:s4], [sflag:s7] =	dma.local [spmem:s26], $0x2BC0  }
0x182: {  	_ =	swait.ge [sflag:s3], $0x2BC0  }
0x183: {  	[sflag:s3] =	ssyncset.done $0x0  }
0x184: {  	[sflag:s3] =	ssyncadd.s32 $0xFFFFD440  }
0x185: {  	s10 =	rddreg [dreg:$0x4]  }
0x186: {  	s4 =	rddreg [dreg:$0xf];
	s10 =	sadd.s32 $0x1, s10  }
0x187: {  	p0 =	sne.s32 s10, s4  }
.Ltmp11:
0x188: {  	_ = 	snop;
	(pc) =	sbr.rel @p0 .LBB2_1-.Ltmp11, $1  }
0x189: {  	_ =	sdelay $0x3  }
0x18a: {  	_ =	sfence.sel $0x180000  }
0x18b: {  	[bflag:$0x0] =	sbarrier.arrive $0xFFFF  }
0x18c: {  	_ =	strace $0x90000047  }
0x18d: {  	s0 =	stileid.u32;
	[bflag:$0x2] =	sbarrier.arrive $0xFFFF  }
0x18e: {  	p0 =	sne.s32 s0, $0x0;
	s0 =	rddreg [dreg:$0x3]  }
0x18f: {  	s0 =	sadd.s32 @!p0 $0x100000, s0  }
0x190: {  	[sflag:s0] =	ssyncadd.tile.s32 @!p0 $0x1;
	_ =	shalt  }
.Lfunc_end2:
_tile_overlayer_lowered:
.L_overlay_start_2:
0x191: {  	(tag) =	ssettag $0x2  }
0x192: {  	s0 =	rddreg [dreg:$0x0];
	s2 =	stileid.u32  }
0x193: {  	s1 =	rddreg [dreg:$0x1];
	p0 =	sne.s32 s2, $0x0  }
0x194: {  	s3 =	rddreg [dreg:$0x2];
	[bflag:$0x3] =	sbarrier.arrive $0xFFFF;
	s2 =	simm.s32 @!p0 $0x1C04  }
0x195: {  	[timem:s3], [sflag:s2] =	dma.local @!p0 [hbm:s0], s1  }
0x196: {  	s0 =	simm.s32 @!p0 $0x4  }
0x197: {  	_ =	swait.ge @!p0 [sflag:s0], s1  }
0x198: {  	s1 =	ssub.s32 @!p0 $0x0, s1;
	[sflag:s0] =	ssyncset.done @!p0 $0x0  }
0x199: {  	[sflag:s0] =	ssyncadd.s32 @!p0 s1  }
0x19a: {  	[bflag:$0x3] =	sbarrier.arrive $0xFFFF  }
0x19b: {  	_ =	shalt  }

// kernel: sparse-core-data-format-call.cloned.1.call-start
scs
called_computation_lowered:
.L_overlay_start_0:
0x0: {  	s2 =	sld [smem:$0x3FD9]  }
0x1: {  	s3 =	sld [smem:$0x3FFE];
	_ =	sdelay $0x1  }
0x2: {  	s1 =	srdreg.scid  }
0x3: {  	s0 =	sand.u32 $0x1, s1  }
0x4: {  	s18 =	sshll.u32 s0, $0xA;
	s2 =	sadd.s32 s3, s2  }
0x5: {  	s2 =	sadd.s32 s2, s18  }
0x6: {  	[smem:$0x3FC4] =	sst s2  }
0x7: {  	_ = 	snop  }
0x8: {  	s2 =	sld [smem:$0x3FD0];
	(tm) =	ssettm $0x1  }
0x9: {  	s19 =	sld [smem:$0x3FFB];
	_ =	sdelay $0x3  }
0xa: {  	_ =	strace s19  }
0xb: {  	s3 =	sld [smem:$0x3FFC];
	_ =	sdelay $0x3  }
0xc: {  	_ =	strace s3  }
0xd: {  	s3 =	sld [smem:$0x3FFD];
	_ =	sdelay $0x3  }
0xe: {  	_ =	strace s3  }
0xf: {  	_ =	strace $0x8FFFFFFF  }
0x10: {  	s20 =	sld [smem:$0x3FDB];
	_ =	sdelay $0x1  }
0x11: {  	s4 =	simm.s32 $_scs_section_size  }
0x12: {  	s5 =	simm.s32 $_size__tile_overlayer_lowered;
	s6 =	simm.s32 $_tile_overlayer_lowered  }
0x13: {  	s23 =	simm.s32 $0x1BFF;
	s22 =	sshll.u32 s6, $0x1;
	s3 =	sadd.s32 s4, s20  }
0x14: {  	s7 =	simm.s32 $0x0;
	s21 =	sshll.u32 s5, $0x1;
	s5 =	sadd.s32 s22, s3  }
0x15: {  	[timem:s7], [sflag:s23] =	dma.local [hbm:s5], s21  }
0x16: {  	_ =	swait.ge [sflag:s23], s21  }
0x17: {  	s4 =	ssub.s32 $0x0, s21;
	[sflag:s23] =	ssyncset.done $0x0  }
0x18: {  	[sflag:s23] =	ssyncadd.s32 s4;
	_ =	sdelay $0x1  }
0x19: {  	s24 =	simm.s32 $0x1B8B  }
0x1a: {  	_ =	swait.ge [sflag:s24], $0x1  }
0x1b: {  	[sflag:s24] =	ssyncset.done $0x0  }
0x1c: {  	s26 =	simm.s32 $0x1B8E;
	s25 =	sld [smem:$0x3FFE];
	[sflag:s24] =	ssyncadd.s32 $0xFFFFFFFF  }
0x1d: {  	s27 =	simm.s32 $execute0_lowered;
	[smem:$0x3FD2] =	sst s26  }
0x1e: {  	s5 =	sshll.u32 s27, $0x1;
	_ =	strace $0x80000049;
	[dreg:$0x1] =	wrdreg $0xFFFFFFFF  }
0x1f: {  	s28 =	simm.s32 $_size_execute0_lowered;
	s3 =	sadd.s32 s3, s5;
	[dreg:$0x0] =	wrdreg $0x0  }
0x20: {  	s5 =	sshll.u32 s28, $0x1;
	[dreg:$0x2] =	wrdreg s3  }
0x21: {  	[dreg:$0x3] =	wrdreg s5  }
0x22: {  	[dreg:$0x4] =	wrdreg $0xC0  }
0x23: {  	_ =	task [dreg:s7], $0x5FFFF  }
0x24: {  	[dreg:$0x1] =	wrdreg $0xFFFFFFFF  }
0x25: {  	[dreg:$0x0] =	wrdreg $0x60  }
0x26: {  	[dreg:$0x2] =	wrdreg s25  }
0x27: {  	[dreg:$0x3] =	wrdreg s2  }
0x28: {  	[dreg:$0x4] =	wrdreg $0x9  }
0x29: {  	_ =	task.clear_ibuf [dreg:s7], $0x5FFFF;
	_ =	strace $0x90000049  }
0x2a: {  	s29 =	simm.s32 $0x9;
	_ =	strace $0x8000004B  }
0x2b: {  	_ =	swait.ge [sflag:s29], $0x1  }
0x2c: {  	[sflag:s29] =	ssyncadd.s32 $0xFFFFFFFF  }
0x2d: {  	_ =	strace $0x9000004B  }
0x2e: {  	_ =	sfence  }
0x2f: {  	s30 =	sld [smem:$0x0];
	_ =	sdelay $0x2  }
0x30: {  	s31 =	sshll.u32 s1, $0xD;
	s1 =	sshrl.u32 s1, $0x2  }
0x31: {  	s3 =	sand.u32 $0x4000, s31;
	s1 =	sadd.s32 s1, s30  }
0x32: {  	s0 =	sor.u32 s3, s0;
	s1 =	sshll.u32 s1, $0x11  }
0x33: {  	s0 =	sor.u32 s1, s0  }
0x34: {  	s0 =	sadd.s32 $0x8F2B, s0  }
0x35: {  	[sflag:s0] =	ssyncadd.remote.s32 $0x1  }
0x36: {  	_ =	sfence.sel $0xFFFF  }
0x37: {  	[dreg:$0x0] =	wrdreg $0xFFFFFFFF;
	(pc) =	sbr.abs _section_cstart, $3  }
0x38: {  	[dreg:$0x1] =	wrdreg $0xFFFFFFFF  }
0x39: {  	_ =	task.clear_ibuf [dreg:s7], $0x2FFFF;
	_ =	strace $0x9FFFFFFF  }
0x3a: {  	(tm) =	ssettm $0x7FFFFFFF  }
0x3b: {  	_ =	shalt  }
tec
execute0_lowered:
.L_overlay_start_1:
0x0: {  	(tag) =	ssettag $0x1  }
0x1: {  	s0 =	srdreg.scid  }
0x2: {  	s1 =	sshll.u32 s0, $0x4  }
0x3: {  	s4 =	rddreg [dreg:$0x0];
	s0 =	stileid.u32;
	s1 =	sand.u32 $0x10, s1  }
0x4: {  	s2 =	rddreg [dreg:$0x1];
	s7 =	simm.s32 $0x1;
	s1 =	sor.u32 s0, s1  }
0x5: {  	s8 =	simm.s32 $0x2;
	s11 =	simm.s32 $0x0;
	s3 =	sshll.u32 s1, $0x7  }
0x6: {  	s10 =	simm.s32 $0x0;
	s4 =	sadd.s32 $0xE00, s4;
	s6 =	ssub.s32 $0x30D400, s3  }
.Ltmp0:
0x7: {  	s1 =	rddreg [dreg:$0x2];
	s5 =	sand.u32 $0xF80, s6;
	(pc) =	sbr.rel .LBB1_1-.Ltmp0, $4  }
0x8: {  	_ =	strace $0x8000004A;
	s9 =	smov.u32 s3;
	p0 =	sne.s32 s5, $0x0  }
0x9: {  	s6 =	sshrl.u32 s6, $0xC;
	s5 =	simm.s32 $0x1;
	s7 =	simm.s32 @!p0 $0x0  }
0xa: {  	[sflag:s5] =	ssyncpa.u1 $0x0;
	p0 =	por $0x0, $0x0;
	s6 =	sadd.s32 s7, s6  }
0xb: {  	[sflag:s8] =	ssyncpa.u1 $0x0;
	s8 =	simm.s32 $0x186A000;
	s7 =	sadd.s32 $0x1, s6  }
.LBB1_4:
0xc: {  	s14 =	sshll.u32 s11, $0x3  }
0xd: {  	s15 =	sshrl.u32 s14, $0xA  }
0xe: {  	s15 =	smulhi.u32 $0x53E2D7, s15;
	_ =	sdelay $0x1  }
0xf: {  	s15 =	sshrl.u32 s15, $0x2  }
0x10: {  	s28 =	sand.u32 $0x7F, s11;
	s14 =	sand.u32 $0xFFFFFC00, s14;
	s16 =	smul.u32 $0x30D400, s15  }
0x11: {  	s11 =	sor.u32 s28, s14;
	s29 =	sand.u32 $0x3F, s15  }
0x12: {  	s14 =	smul.u32 $0x61A80, s29;
	s11 =	ssub.s32 s11, s16  }
0x13: {  	[tilespmem:s13+$0x810 ss:$0x81] =	vst.msk $0xffff, v2;
	s30 =	sand.u32 $0x7, s11  }
0x14: {  	[tilespmem:s13+$0x1020 ss:$0x81] =	vst.msk $0xffff, v0;
	s11 =	sshrl.u32 s11, $0x3;
	s14 =	sadd.s32 s2, s14;
	s15 =	sshll.u32 s30, $0x12  }
0x15: {  	[tilespmem:s13+$0x0 ss:$0x81] =	vst.msk $0xffff, v1;
	s11 =	sadd.s32 s11, s14;
	s31 =	sor.u32 $0x400, s15  }
0x16: {  	[hbm4b:s11+s31] =	stream.strided.scatter [tilespmem:s12], [sflag:$0x2], $0x2000, s8, s31, $0x20;
	[tilespmem:$0x8080] =	vst v63  }
.LBB1_5:
0x17: {  	s13 =	sadd.s32 $0x1000, s9  }
0x18: {  	p2 =	sgt.s32 s13, $0x30D3FF  }
0x19: {  	s13 =	smov.u32 @p2 s3;
	p2 =	sne.s32 s10, s7  }
.Ltmp1:
0x1a: {  	p1 =	slt.u32 s10, $0x2;
	(pc) =	sbr.rel @!p2 .LBB1_6-.Ltmp1, $4  }
0x1b: {  	s12 =	simm.s32 @!p1 $0x2  }
0x1c: {  	s14 =	sadd.s32 $0x1, s10;
	_ =	swait.ge @!p1 [sflag:s12], $0x2000  }
0x1d: {  	s11 =	smov.u32 s9;
	p0 =	por !p0, !p0;
	[sflag:s12] =	ssyncset.done @!p1 $0x0  }
0x1e: {  	s10 =	smov.u32 s14;
	s9 =	smov.u32 s13;
	[sflag:s12] =	ssyncadd.s32 @!p1 $0xFFFFE000  }
.LBB1_1:
0x1f: {  	p1 =	sge.u32 s10, s6  }
0x20: {  	s12 =	sand.u32 @!p1 $0x1FFFFFF, s9  }
0x21: {  	s13 =	smulhi.u32 @!p1 $0x14F8B59, s12;
	_ =	sdelay $0x1  }
0x22: {  	s13 =	sshrl.u32 @!p1 s13, $0xE  }
0x23: {  	s13 =	smul.u32 @!p1 $0x30D400, s13;
	_ =	sdelay $0x1  }
0x24: {  	s31 =	sadd.s32 $0xFFFFFFFF, s10;
	s14 =	sxor.u32 @!p1 $0xFFFFFFFF, s10;
	s12 =	ssub.s32 @!p1 s12, s13  }
0x25: {  	s15 =	simm.s32 @!p1 $0x80;
	s14 =	sshll.u32 @!p1 s14, $0xD;
	s12 =	sshll.u32 @!p1 s12, $0x4  }
0x26: {  	s13 =	sand.u32 @!p1 $0x2000, s14;
	s14 =	simm.s32 @!p1 $0x40;
	s12 =	sadd.s32 @!p1 s4, s12  }
0x27: {  	[tilespmem:s13], [sflag:$0x1] =	stream.strided.gather @!p1 [hbm4b:s12+s14], $0x2000, s15, s14, $0x38;
	[tilespmem:$0x8080] =	vst v63  }
0x28: {  	p1 =	sge.u32 s31, s6  }
.Ltmp2:
0x29: {  	_ = 	snop;
	(pc) =	sbr.rel @p1 .LBB1_5-.Ltmp2, $1  }
0x2a: {  	_ =	sdelay $0x3  }
0x2b: {  	s12 =	simm.s32 $0x1  }
0x2c: {  	_ =	swait.ge [sflag:s5], $0x2000;
	s12 =	simm.s32 @!p0 $0x0  }
0x2d: {  	[sflag:s5] =	ssyncset.done $0x0;
	s13 =	sshll.u32 s12, $0xD  }
0x2e: {  	[sflag:s5] =	ssyncadd.s32 $0xFFFFE000;
	s16 =	sor.u32 $0x20, s13  }
0x2f: {  	s12 =	smul.u32 $0x8100, s12;
	v3 =	vld [tilespmem:s16+$0x10]  }
0x30: {  	s30 =	sand.u32 $0x1, s10;
	v2 =	vld [tilespmem:s16+$0xFFFFFFF0]  }
0x31: {  	s13 =	smul.u32 $0x8100, s30;
	s12 =	sshrl.u32 s12, $0x2;
	v0 =	vld [tilespmem:s16+$0x0]  }
0x32: {  	v1 =	vld [tilespmem:s16+$0xFFFFFFE0];
	s14 =	sor.u32 $0x4000, s12  }
0x33: {  	s31 =	sshrl.u32 s13, $0x2;
	s13 =	sadd.s32 $0x0, s14  }
0x34: {  	s15 =	simm.s32 $0x4;
	s16 =	sadd.s32 $0x40, s16;
	s12 =	sor.u32 $0x4000, s31;
	[tilespmem:s13+$0x1830 ss:$0x81] =	vst.msk $0xffff, v3  }
.LBB1_3:
0x35: {  	v3 =	vld [tilespmem:s16+$0x10];
	p1 =	sne.s32 s15, $0x1FC;
	[tilespmem:s13+$0x810 ss:$0x81] =	vst.msk $0xffff, v2;
	s17 =	smov.u32 s15;
	s15 =	sadd.s32 $0x4, s15  }
.Ltmp3:
0x36: {  	v2 =	vld [tilespmem:s16+$0xFFFFFFF0];
	[tilespmem:s13+$0x1020 ss:$0x81] =	vst.msk $0xffff, v0;
	(pc) =	sbr.rel @p1 .LBB1_3-.Ltmp3, $4  }
0x37: {  	v0 =	vld [tilespmem:s16+$0x0];
	[tilespmem:s13+$0x0 ss:$0x81] =	vst.msk $0xffff, v1  }
0x38: {  	s13 =	sshra.s32 s17, $0x2;
	v1 =	vld [tilespmem:s16+$0xFFFFFFE0]  }
0x39: {  	s13 =	sadd.s32 s13, s14  }
0x3a: {  	s16 =	sadd.s32 $0x40, s16;
	[tilespmem:s13+$0x1830 ss:$0x81] =	vst.msk $0xffff, v3  }
.Ltmp4:
0x3b: {  	_ = 	snop;
	(pc) =	sbr.rel .LBB1_4-.Ltmp4, $1  }
0x3c: {  	_ =	sdelay $0x3  }
.LBB1_6:
0x3d: {  	_ =	sfence.sel $0x180000  }
0x3e: {  	s2 =	simm.s32 $0x1;
	[bflag:$0x0] =	sbarrier.arrive $0xFFFF  }
0x3f: {  	s31 =	simm.s32 $0x2;
	[sflag:s2] =	ssyncpa.u1 $0x1  }
0x40: {  	[sflag:s31] =	ssyncpa.u1 $0x1  }
0x41: {  	p0 =	sne.s32 s0, $0x0;
	_ =	strace $0x9000004A  }
0x42: {  	s0 =	sadd.s32 @!p0 $0x100000, s1;
	[bflag:$0x2] =	sbarrier.arrive $0xFFFF  }
0x43: {  	[sflag:s0] =	ssyncadd.tile.s32 @!p0 $0x1;
	_ =	shalt  }
.Lfunc_end1:
_tile_overlayer_lowered:
.L_overlay_start_2:
0x44: {  	(tag) =	ssettag $0x2  }
0x45: {  	s0 =	rddreg [dreg:$0x0];
	s2 =	stileid.u32  }
0x46: {  	s1 =	rddreg [dreg:$0x1];
	p0 =	sne.s32 s2, $0x0  }
0x47: {  	s3 =	rddreg [dreg:$0x2];
	[bflag:$0x3] =	sbarrier.arrive $0xFFFF;
	s2 =	simm.s32 @!p0 $0x1C01  }
0x48: {  	[timem:s3], [sflag:s2] =	dma.local @!p0 [hbm:s0], s1  }
0x49: {  	s0 =	simm.s32 @!p0 $0x1  }
0x4a: {  	_ =	swait.ge @!p0 [sflag:s0], s1  }
0x4b: {  	s1 =	ssub.s32 @!p0 $0x0, s1;
	[sflag:s0] =	ssyncset.done @!p0 $0x0  }
0x4c: {  	[sflag:s0] =	ssyncadd.s32 @!p0 s1  }
0x4d: {  	[bflag:$0x3] =	sbarrier.arrive $0xFFFF  }
0x4e: {  	_ =	shalt  }

</sc_bundles>
